<compile_context>
chip_gen: v7x
topology: tpu7x:2x2x1
jax: 0.10.2.dev20260603
libtpu: 0.0.44.dev20260713+nightly
codegen_flags: <defaults>
</compile_context>

<pallas_src>
import functools

import jax
import jax.numpy as jnp
from jax import lax
from jax.experimental import pallas as pl
from jax.experimental.pallas import tpu as pltpu
from jax.experimental.pallas import tpu_sc as plsc

NUM_EDGES = 3_200_000
NUM_NODES = 100_000
NC, NS, L = 2, 16, 16
NW = NC * NS
PER_W = NUM_EDGES // NW
CHUNK = 2_000
NCHUNK = PER_W // CHUNK
NVEC = CHUNK // L

PRE_CHUNK = 1_000
PRE_NCHUNK = NUM_NODES // PRE_CHUNK

_SC_PARAMS = pltpu.CompilerParams(
    needs_layout_passes=False, use_tc_tiling_on_sc=False)


def _make_precompose():
    mesh = plsc.VectorSubcoreMesh(core_axis_name="c", subcore_axis_name="s")
    out_t = tuple(
        jax.ShapeDtypeStruct((NUM_NODES, 8), jnp.float32) for _ in range(2))

    @functools.partial(
        pl.kernel,
        mesh=mesh,
        out_type=out_t,
        compiler_params=_SC_PARAMS,
        scratch_types=[
            pltpu.VMEM((PRE_CHUNK,), jnp.int32),
            pltpu.VMEM((PRE_CHUNK, 8), jnp.float32),
            pltpu.SemaphoreType.DMA,
        ],
    )
    def run(nid_c, nid_g, p_c, p_g, c_c, c_g, nid_v, rows_v, sem):
        wid = lax.axis_index("s") * NC + lax.axis_index("c")

        def body(k, carry):
            cid = wid + NW * k

            @pl.when(cid < PRE_NCHUNK)
            def _():
                base = cid * PRE_CHUNK
                for nid, p, c in ((nid_c, p_c, c_c), (nid_g, p_g, c_g)):
                    pltpu.sync_copy(nid.at[pl.ds(base, PRE_CHUNK)], nid_v)
                    pltpu.async_copy(p.at[nid_v], rows_v, sem).wait()
                    pltpu.sync_copy(rows_v, c.at[pl.ds(base, PRE_CHUNK), :])

            return carry

        lax.fori_loop(0, (PRE_NCHUNK + NW - 1) // NW, body, 0)

    return run


def _make_main():
    mesh = plsc.VectorSubcoreMesh(core_axis_name="c", subcore_axis_name="s")
    out_t = tuple(
        jax.ShapeDtypeStruct((NUM_EDGES,), jnp.float32) for _ in range(6))

    @functools.partial(
        pl.kernel,
        mesh=mesh,
        out_type=out_t,
        compiler_params=_SC_PARAMS,
        scratch_types=[
            pltpu.VMEM((CHUNK,), jnp.int32),
            pltpu.VMEM((CHUNK,), jnp.int32),
            pltpu.VMEM((CHUNK,), jnp.int32),
            pltpu.VMEM((CHUNK,), jnp.int32),
            pltpu.VMEM((CHUNK, 8), jnp.float32),
            pltpu.VMEM((CHUNK, 8), jnp.float32),
            pltpu.VMEM((CHUNK, 8), jnp.float32),
            pltpu.VMEM((CHUNK, 8), jnp.float32),
            pltpu.VMEM((CHUNK,), jnp.float32),
            pltpu.VMEM((CHUNK,), jnp.float32),
            pltpu.VMEM((CHUNK,), jnp.float32),
            pltpu.VMEM((CHUNK,), jnp.float32),
            pltpu.VMEM((CHUNK,), jnp.float32),
            pltpu.VMEM((CHUNK,), jnp.float32),
            pltpu.VMEM((CHUNK,), jnp.float32),
            pltpu.VMEM((CHUNK,), jnp.float32),
            pltpu.VMEM((CHUNK,), jnp.float32),
            pltpu.VMEM((CHUNK,), jnp.float32),
            pltpu.VMEM((CHUNK,), jnp.float32),
            pltpu.VMEM((CHUNK,), jnp.float32),
            pltpu.SemaphoreType.DMA,
            pltpu.SemaphoreType.DMA,
            pltpu.SemaphoreType.DMA,
            pltpu.SemaphoreType.DMA,
            pltpu.SemaphoreType.DMA,
            pltpu.SemaphoreType.DMA,
        ],
    )
    def run(ei, c_c, c_g,
            o_sls, o_sb, o_ss, o_dls, o_db, o_ds,
            i0a_v, i1a_v, i0b_v, i1b_v, r0a_v, r1a_v, r0b_v, r1b_v,
            oa0, oa1, oa2, oa3, oa4, oa5,
            ob0, ob1, ob2, ob3, ob4, ob5,
            sra, srb, sia, sib, ssa, ssb):
        wid = lax.axis_index("s") * NC + lax.axis_index("c")
        idxs = ((i0a_v, i1a_v, sia), (i0b_v, i1b_v, sib))
        rows = ((r0a_v, r1a_v, sra), (r0b_v, r1b_v, srb))
        outs = (((oa0, oa1, oa2, oa3, oa4, oa5), ssa),
                ((ob0, ob1, ob2, ob3, ob4, ob5), ssb))
        outrefs = (o_sls, o_sb, o_ss, o_dls, o_db, o_ds)

        def issue_idx(t, which):
            i0_v, i1_v, si = idxs[which]
            base = wid * PER_W + t * CHUNK
            pltpu.async_copy(ei.at[pl.ds(base, CHUNK)], i0_v, si)
            pltpu.async_copy(ei.at[pl.ds(NUM_EDGES + base, CHUNK)], i1_v, si)

        def drain_idx(which):
            i0_v, i1_v, si = idxs[which]
            pltpu.make_async_copy(ei.at[pl.ds(0, CHUNK)], i0_v, si).wait()
            pltpu.make_async_copy(ei.at[pl.ds(0, CHUNK)], i1_v, si).wait()

        def issue_rows(which):
            i0_v, i1_v, _ = idxs[which]
            r0_v, r1_v, sr = rows[which]
            pltpu.async_copy(c_c.at[i0_v], r0_v, sr)
            pltpu.async_copy(c_g.at[i1_v], r1_v, sr)

        def drain_rows(which):
            i0_v, i1_v, _ = idxs[which]
            r0_v, r1_v, sr = rows[which]
            pltpu.make_async_copy(c_c.at[i0_v], r0_v, sr).wait()
            pltpu.make_async_copy(c_g.at[i1_v], r1_v, sr).wait()

        def unpack(which):
            r0_v, r1_v, _ = rows[which]
            obufs, _ = outs[which]

            def step(i, c2):
                row = i * L + lax.iota(jnp.int32, L)
                for rv, obs in ((r0_v, obufs[:3]), (r1_v, obufs[3:])):
                    for col, buf in enumerate(obs):
                        cvec = jnp.full((L,), col, jnp.int32)
                        buf[pl.ds(i * L, L)] = plsc.load_gather(rv, [row, cvec])
                return c2

            lax.fori_loop(0, NVEC, step, 0)

        def issue_stores(t, which):
            obufs, ss = outs[which]
            base = wid * PER_W + t * CHUNK
            for buf, oref in zip(obufs, outrefs):
                pltpu.async_copy(buf, oref.at[pl.ds(base, CHUNK)], ss)

        def drain_stores(which):
            obufs, ss = outs[which]
            for buf, oref in zip(obufs, outrefs):
                pltpu.make_async_copy(
                    buf, oref.at[pl.ds(0, CHUNK)], ss).wait()

        def step_chunk(t, cur, nxt):
            drain_rows(cur)

            @pl.when(t + 1 < NCHUNK)
            def _():
                drain_idx(nxt)
                issue_rows(nxt)

            @pl.when(t + 2 < NCHUNK)
            def _():
                issue_idx(t + 2, cur)

            @pl.when(t >= 2)
            def _():
                drain_stores(cur)

            unpack(cur)
            issue_stores(t, cur)

        issue_idx(0, 0)
        issue_idx(1, 1)
        drain_idx(0)
        issue_rows(0)

        @pl.loop(0, NCHUNK, step=2)
        def _(t):
            step_chunk(t, 0, 1)
            step_chunk(t + 1, 1, 0)

        drain_stores(0)
        drain_stores(1)

    return run


_PRE = _make_precompose()
_MAIN = _make_main()


def kernel(edge_index, n_id_cell, n_id_gene, logscale_cell, bias_cell,
           std_cell, logscale_gene, bias_gene, std_gene):
    zc = jnp.zeros_like(logscale_cell)
    zg = jnp.zeros_like(logscale_gene)
    p_cell = jnp.stack(
        [logscale_cell, bias_cell, std_cell, zc, zc, zc, zc, zc], axis=1)
    p_gene = jnp.stack(
        [logscale_gene, bias_gene, std_gene, zg, zg, zg, zg, zg], axis=1)
    c_cell, c_gene = _PRE(n_id_cell, n_id_gene, p_cell, p_gene)
    return _MAIN(edge_index.reshape(-1), c_cell, c_gene)

# --- scband reference (transcript-rebuilt; emitter-appended) ---
"""Pipeline reference for scband-aux-params-9809705304180 (READ-ONLY COPY).

The authoritative reference and input builder live on the scoring server;
editing this copy changes nothing except your own understanding.
"""

import jax, jax.numpy as jnp
import numpy as np

NUM_CELLS = 100000
NUM_GENES = 100000
NUM_EDGES = 3200000


def setup_inputs(seed: int = 0) -> dict:
    key = jax.random.key(seed)
    ks = jax.random.split(key, 10)
    edge_index = jax.random.randint(ks[0], (2, NUM_EDGES), 0, NUM_CELLS, dtype=jnp.int32)
    n_id_cell = jax.random.randint(ks[1], (NUM_CELLS,), 0, NUM_CELLS, dtype=jnp.int32)
    n_id_gene = jax.random.randint(ks[2], (NUM_GENES,), 0, NUM_GENES, dtype=jnp.int32)
    # learned per-node parameter vectors (AuxParams ParameterDicts for the single
    # edge type cell__cell_expresses_gene / gene__cell_expresses_gene, use_batch=False)
    logscale_cell = jax.random.normal(ks[3], (NUM_CELLS,), dtype=jnp.float32) * 0.02
    bias_cell = jax.random.normal(ks[4], (NUM_CELLS,), dtype=jnp.float32) * 0.02
    std_cell = jax.random.normal(ks[5], (NUM_CELLS,), dtype=jnp.float32) * 0.02
    logscale_gene = jax.random.normal(ks[6], (NUM_GENES,), dtype=jnp.float32) * 0.02
    bias_gene = jax.random.normal(ks[7], (NUM_GENES,), dtype=jnp.float32) * 0.02
    std_gene = jax.random.normal(ks[8], (NUM_GENES,), dtype=jnp.float32) * 0.02
    return {
        "edge_index": edge_index,
        "n_id_cell": n_id_cell,
        "n_id_gene": n_id_gene,
        "logscale_cell": logscale_cell,
        "bias_cell": bias_cell,
        "std_cell": std_cell,
        "logscale_gene": logscale_gene,
        "bias_gene": bias_gene,
        "std_gene": std_gene,
    }


def reference(edge_index, n_id_cell, n_id_gene,
              logscale_cell, bias_cell, std_cell,
              logscale_gene, bias_gene, std_gene):
    # AuxParams.forward for a single edge type, use_batch=False:
    #   src_node_id = batch[src].n_id[edge_index[0]]
    #   dst_node_id = batch[dst].n_id[edge_index[1]]
    #   then gather each parameter vector at those ids (double gather).
    src_node_id = jnp.take(n_id_cell, edge_index[0], axis=0)
    dst_node_id = jnp.take(n_id_gene, edge_index[1], axis=0)
    src_logscale = jnp.take(logscale_cell, src_node_id, axis=0)
    src_bias = jnp.take(bias_cell, src_node_id, axis=0)
    src_std = jnp.take(std_cell, src_node_id, axis=0)
    dst_logscale = jnp.take(logscale_gene, dst_node_id, axis=0)
    dst_bias = jnp.take(bias_gene, dst_node_id, axis=0)
    dst_std = jnp.take(std_gene, dst_node_id, axis=0)
    return (src_logscale, src_bias, src_std, dst_logscale, dst_bias, dst_std)

if __name__ == "__main__":
    import jax
    _d = setup_inputs()
    print(jax.jit(kernel)(*tuple(_d.values())))

</pallas_src>

<mosaic_0001>
#map = affine_map<(d0, d1) -> (0)>
#map1 = affine_map<(d0, d1) -> (0, 0)>
module attributes {stable_mosaic.version = 14 : i64} {
  func.func @run(%arg0: i32, %arg1: i32, %arg2: memref<6400000xi32, #tpu.memory_space<hbm>>, %arg3: memref<100000x8xf32, #tpu.memory_space<hbm>>, %arg4: memref<100000x8xf32, #tpu.memory_space<hbm>>, %arg5: memref<3200000xf32, #tpu.memory_space<hbm>>, %arg6: memref<3200000xf32, #tpu.memory_space<hbm>>, %arg7: memref<3200000xf32, #tpu.memory_space<hbm>>, %arg8: memref<3200000xf32, #tpu.memory_space<hbm>>, %arg9: memref<3200000xf32, #tpu.memory_space<hbm>>, %arg10: memref<3200000xf32, #tpu.memory_space<hbm>>, %arg11: memref<2000xi32, #tpu.memory_space<vmem>>, %arg12: memref<2000xi32, #tpu.memory_space<vmem>>, %arg13: memref<2000xi32, #tpu.memory_space<vmem>>, %arg14: memref<2000xi32, #tpu.memory_space<vmem>>, %arg15: memref<2000x8xf32, #tpu.memory_space<vmem>>, %arg16: memref<2000x8xf32, #tpu.memory_space<vmem>>, %arg17: memref<2000x8xf32, #tpu.memory_space<vmem>>, %arg18: memref<2000x8xf32, #tpu.memory_space<vmem>>, %arg19: memref<2000xf32, #tpu.memory_space<vmem>>, %arg20: memref<2000xf32, #tpu.memory_space<vmem>>, %arg21: memref<2000xf32, #tpu.memory_space<vmem>>, %arg22: memref<2000xf32, #tpu.memory_space<vmem>>, %arg23: memref<2000xf32, #tpu.memory_space<vmem>>, %arg24: memref<2000xf32, #tpu.memory_space<vmem>>, %arg25: memref<2000xf32, #tpu.memory_space<vmem>>, %arg26: memref<2000xf32, #tpu.memory_space<vmem>>, %arg27: memref<2000xf32, #tpu.memory_space<vmem>>, %arg28: memref<2000xf32, #tpu.memory_space<vmem>>, %arg29: memref<2000xf32, #tpu.memory_space<vmem>>, %arg30: memref<2000xf32, #tpu.memory_space<vmem>>, %arg31: memref<!tpu.dma_semaphore, #tpu.memory_space<semaphore_mem>>, %arg32: memref<!tpu.dma_semaphore, #tpu.memory_space<semaphore_mem>>, %arg33: memref<!tpu.dma_semaphore, #tpu.memory_space<semaphore_mem>>, %arg34: memref<!tpu.dma_semaphore, #tpu.memory_space<semaphore_mem>>, %arg35: memref<!tpu.dma_semaphore, #tpu.memory_space<semaphore_mem>>, %arg36: memref<!tpu.dma_semaphore, #tpu.memory_space<semaphore_mem>>) attributes {dimension_semantics = [#tpu.dimension_semantics<core_parallel>, #tpu.dimension_semantics<subcore_parallel>], iteration_bounds = array<i64: 2, 16>, scalar_prefetch = 0 : i64, scratch_operands = 26 : i64, tpu.core_type = #tpu.core_type<sc_vector_subcore>, window_params = [{transform_indices = #map}, {transform_indices = #map1}, {transform_indices = #map1}, {transform_indices = #map}, {transform_indices = #map}, {transform_indices = #map}, {transform_indices = #map}, {transform_indices = #map}, {transform_indices = #map}]} {
    %mul3A = arith.constant 2 : i32
    %mul3A_0 = arith.muli %arg1, %mul3A : i32
    %add3A = arith.addi %mul3A_0, %arg0 : i32
    %mul3A_1 = arith.constant 100000 : i32
    %mul3A_2 = arith.muli %add3A, %mul3A_1 : i32
    %add3A_3 = arith.constant 0 : i32
    %add3A_4 = arith.addi %mul3A_2, %add3A_3 : i32
    %dma_start3A = tpu.memref_slice %arg2[%add3A_4] : memref<6400000xi32, #tpu.memory_space<hbm>> -> memref<2000xi32, #tpu.memory_space<hbm>>
    %dma_start3A_5 = tpu.memref_slice %arg2[%add3A_4] : memref<6400000xi32, #tpu.memory_space<hbm>> -> memref<2000xi32, #tpu.memory_space<hbm>>
    tpu.enqueue_dma source(%dma_start3A_5 : memref<2000xi32, #tpu.memory_space<hbm>>) target(%arg11 : memref<2000xi32, #tpu.memory_space<vmem>>) target_semaphore(%arg33 : memref<!tpu.dma_semaphore, #tpu.memory_space<semaphore_mem>>)
    %add3A_6 = arith.constant 3200000 : i32
    %add3A_7 = arith.addi %add3A_6, %add3A_4 : i32
    %dma_start3A_8 = tpu.memref_slice %arg2[%add3A_7] : memref<6400000xi32, #tpu.memory_space<hbm>> -> memref<2000xi32, #tpu.memory_space<hbm>>
    %dma_start3A_9 = tpu.memref_slice %arg2[%add3A_7] : memref<6400000xi32, #tpu.memory_space<hbm>> -> memref<2000xi32, #tpu.memory_space<hbm>>
    tpu.enqueue_dma source(%dma_start3A_9 : memref<2000xi32, #tpu.memory_space<hbm>>) target(%arg12 : memref<2000xi32, #tpu.memory_space<vmem>>) target_semaphore(%arg33 : memref<!tpu.dma_semaphore, #tpu.memory_space<semaphore_mem>>)
    %mul3A_10 = arith.constant 100000 : i32
    %mul3A_11 = arith.muli %add3A, %mul3A_10 : i32
    %add3A_12 = arith.constant 2000 : i32
    %add3A_13 = arith.addi %mul3A_11, %add3A_12 : i32
    %dma_start3A_14 = tpu.memref_slice %arg2[%add3A_13] : memref<6400000xi32, #tpu.memory_space<hbm>> -> memref<2000xi32, #tpu.memory_space<hbm>>
    %dma_start3A_15 = tpu.memref_slice %arg2[%add3A_13] : memref<6400000xi32, #tpu.memory_space<hbm>> -> memref<2000xi32, #tpu.memory_space<hbm>>
    tpu.enqueue_dma source(%dma_start3A_15 : memref<2000xi32, #tpu.memory_space<hbm>>) target(%arg13 : memref<2000xi32, #tpu.memory_space<vmem>>) target_semaphore(%arg34 : memref<!tpu.dma_semaphore, #tpu.memory_space<semaphore_mem>>)
    %add3A_16 = arith.constant 3200000 : i32
    %add3A_17 = arith.addi %add3A_16, %add3A_13 : i32
    %dma_start3A_18 = tpu.memref_slice %arg2[%add3A_17] : memref<6400000xi32, #tpu.memory_space<hbm>> -> memref<2000xi32, #tpu.memory_space<hbm>>
    %dma_start3A_19 = tpu.memref_slice %arg2[%add3A_17] : memref<6400000xi32, #tpu.memory_space<hbm>> -> memref<2000xi32, #tpu.memory_space<hbm>>
    tpu.enqueue_dma source(%dma_start3A_19 : memref<2000xi32, #tpu.memory_space<hbm>>) target(%arg14 : memref<2000xi32, #tpu.memory_space<vmem>>) target_semaphore(%arg34 : memref<!tpu.dma_semaphore, #tpu.memory_space<semaphore_mem>>)
    %dma_wait3A = arith.constant 0 : i32
    %dma_wait3A_20 = tpu.memref_slice %arg2[%dma_wait3A] : memref<6400000xi32, #tpu.memory_space<hbm>> -> memref<2000xi32, #tpu.memory_space<hbm>>
    %dma_wait3A_21 = arith.constant 0 : i32
    %dma_wait3A_22 = tpu.memref_slice %arg2[%dma_wait3A_21] : memref<6400000xi32, #tpu.memory_space<hbm>> -> memref<2000xi32, #tpu.memory_space<hbm>>
    tpu.wait_dma2 semaphore(%arg33 : memref<!tpu.dma_semaphore, #tpu.memory_space<semaphore_mem>>) src(%dma_wait3A_22 : memref<2000xi32, #tpu.memory_space<hbm>>) dst(%arg11 : memref<2000xi32, #tpu.memory_space<vmem>>)
    %dma_wait3A_23 = arith.constant 0 : i32
    %dma_wait3A_24 = tpu.memref_slice %arg2[%dma_wait3A_23] : memref<6400000xi32, #tpu.memory_space<hbm>> -> memref<2000xi32, #tpu.memory_space<hbm>>
    %dma_wait3A_25 = arith.constant 0 : i32
    %dma_wait3A_26 = tpu.memref_slice %arg2[%dma_wait3A_25] : memref<6400000xi32, #tpu.memory_space<hbm>> -> memref<2000xi32, #tpu.memory_space<hbm>>
    tpu.wait_dma2 semaphore(%arg33 : memref<!tpu.dma_semaphore, #tpu.memory_space<semaphore_mem>>) src(%dma_wait3A_26 : memref<2000xi32, #tpu.memory_space<hbm>>) dst(%arg12 : memref<2000xi32, #tpu.memory_space<vmem>>)
    %dma_start3A_27 = arith.constant 0 : i32
    %dma_start3A_28 = arith.constant 0 : i32
    %dma_start3A_29 = tpu.memref_slice %arg3[%dma_start3A_27, %dma_start3A_28] : memref<100000x8xf32, #tpu.memory_space<hbm>> -> memref<100000x8xf32, #tpu.memory_space<hbm>>
    tpu.enqueue_indirect_dma source(%dma_start3A_29 : memref<100000x8xf32, #tpu.memory_space<hbm>>) target(%arg15 : memref<2000x8xf32, #tpu.memory_space<vmem>>) offsets(%arg11 : memref<2000xi32, #tpu.memory_space<vmem>>) semaphore(%arg31 : memref<!tpu.dma_semaphore, #tpu.memory_space<semaphore_mem>>)
    %dma_start3A_30 = arith.constant 0 : i32
    %dma_start3A_31 = arith.constant 0 : i32
    %dma_start3A_32 = tpu.memref_slice %arg4[%dma_start3A_30, %dma_start3A_31] : memref<100000x8xf32, #tpu.memory_space<hbm>> -> memref<100000x8xf32, #tpu.memory_space<hbm>>
    tpu.enqueue_indirect_dma source(%dma_start3A_32 : memref<100000x8xf32, #tpu.memory_space<hbm>>) target(%arg16 : memref<2000x8xf32, #tpu.memory_space<vmem>>) offsets(%arg12 : memref<2000xi32, #tpu.memory_space<vmem>>) semaphore(%arg31 : memref<!tpu.dma_semaphore, #tpu.memory_space<semaphore_mem>>)
    %scan3A = arith.constant 0 : i32
    %scan3A_33 = arith.constant 25 : i32
    %scan3A_34 = arith.addi %scan3A, %scan3A_33 : i32
    %scan3A_35 = arith.constant 1 : i32
    scf.for %scan3A_85 = %scan3A to %scan3A_34 step %scan3A_35  : i32 {
      %mul3A_86 = arith.constant 2 : i32
      %mul3A_87 = arith.muli %scan3A_85, %mul3A_86 : i32
      %add3A_88 = arith.constant 0 : i32
      %add3A_89 = arith.addi %add3A_88, %mul3A_87 : i32
      %dma_wait3A_90 = arith.constant 0 : i32
      %dma_wait3A_91 = arith.constant 0 : i32
      %dma_wait3A_92 = tpu.memref_slice %arg3[%dma_wait3A_90, %dma_wait3A_91] : memref<100000x8xf32, #tpu.memory_space<hbm>> -> memref<100000x8xf32, #tpu.memory_space<hbm>>
      tpu.wait_indirect_dma semaphore(%arg31 : memref<!tpu.dma_semaphore, #tpu.memory_space<semaphore_mem>>) src(%dma_wait3A_92 : memref<100000x8xf32, #tpu.memory_space<hbm>>) dst(%arg15 : memref<2000x8xf32, #tpu.memory_space<vmem>>)
      %dma_wait3A_93 = arith.constant 0 : i32
      %dma_wait3A_94 = arith.constant 0 : i32
      %dma_wait3A_95 = tpu.memref_slice %arg4[%dma_wait3A_93, %dma_wait3A_94] : memref<100000x8xf32, #tpu.memory_space<hbm>> -> memref<100000x8xf32, #tpu.memory_space<hbm>>
      tpu.wait_indirect_dma semaphore(%arg31 : memref<!tpu.dma_semaphore, #tpu.memory_space<semaphore_mem>>) src(%dma_wait3A_95 : memref<100000x8xf32, #tpu.memory_space<hbm>>) dst(%arg16 : memref<2000x8xf32, #tpu.memory_space<vmem>>)
      %add3A_96 = arith.constant 1 : i32
      %add3A_97 = arith.addi %add3A_89, %add3A_96 : i32
      %lt3A = arith.constant 50 : i32
      %lt3A_98 = arith.cmpi slt, %add3A_97, %lt3A : i32
      %convert_element_type3A = arith.extui %lt3A_98 : i1 to i32
      %cond3A = arith.constant 0 : i32
      %cond3A_99 = arith.cmpi ne, %convert_element_type3A, %cond3A : i32
      scf.if %cond3A_99 {
        %dma_wait3A_184 = arith.constant 0 : i32
        %dma_wait3A_185 = tpu.memref_slice %arg2[%dma_wait3A_184] : memref<6400000xi32, #tpu.memory_space<hbm>> -> memref<2000xi32, #tpu.memory_space<hbm>>
        %dma_wait3A_186 = arith.constant 0 : i32
        %dma_wait3A_187 = tpu.memref_slice %arg2[%dma_wait3A_186] : memref<6400000xi32, #tpu.memory_space<hbm>> -> memref<2000xi32, #tpu.memory_space<hbm>>
        tpu.wait_dma2 semaphore(%arg34 : memref<!tpu.dma_semaphore, #tpu.memory_space<semaphore_mem>>) src(%dma_wait3A_187 : memref<2000xi32, #tpu.memory_space<hbm>>) dst(%arg13 : memref<2000xi32, #tpu.memory_space<vmem>>)
        %dma_wait3A_188 = arith.constant 0 : i32
        %dma_wait3A_189 = tpu.memref_slice %arg2[%dma_wait3A_188] : memref<6400000xi32, #tpu.memory_space<hbm>> -> memref<2000xi32, #tpu.memory_space<hbm>>
        %dma_wait3A_190 = arith.constant 0 : i32
        %dma_wait3A_191 = tpu.memref_slice %arg2[%dma_wait3A_190] : memref<6400000xi32, #tpu.memory_space<hbm>> -> memref<2000xi32, #tpu.memory_space<hbm>>
        tpu.wait_dma2 semaphore(%arg34 : memref<!tpu.dma_semaphore, #tpu.memory_space<semaphore_mem>>) src(%dma_wait3A_191 : memref<2000xi32, #tpu.memory_space<hbm>>) dst(%arg14 : memref<2000xi32, #tpu.memory_space<vmem>>)
        %dma_start3A_192 = arith.constant 0 : i32
        %dma_start3A_193 = arith.constant 0 : i32
        %dma_start3A_194 = tpu.memref_slice %arg3[%dma_start3A_192, %dma_start3A_193] : memref<100000x8xf32, #tpu.memory_space<hbm>> -> memref<100000x8xf32, #tpu.memory_space<hbm>>
        tpu.enqueue_indirect_dma source(%dma_start3A_194 : memref<100000x8xf32, #tpu.memory_space<hbm>>) target(%arg17 : memref<2000x8xf32, #tpu.memory_space<vmem>>) offsets(%arg13 : memref<2000xi32, #tpu.memory_space<vmem>>) semaphore(%arg32 : memref<!tpu.dma_semaphore, #tpu.memory_space<semaphore_mem>>)
        %dma_start3A_195 = arith.constant 0 : i32
        %dma_start3A_196 = arith.constant 0 : i32
        %dma_start3A_197 = tpu.memref_slice %arg4[%dma_start3A_195, %dma_start3A_196] : memref<100000x8xf32, #tpu.memory_space<hbm>> -> memref<100000x8xf32, #tpu.memory_space<hbm>>
        tpu.enqueue_indirect_dma source(%dma_start3A_197 : memref<100000x8xf32, #tpu.memory_space<hbm>>) target(%arg18 : memref<2000x8xf32, #tpu.memory_space<vmem>>) offsets(%arg14 : memref<2000xi32, #tpu.memory_space<vmem>>) semaphore(%arg32 : memref<!tpu.dma_semaphore, #tpu.memory_space<semaphore_mem>>)
      } else {
      }
      %add3A_100 = arith.constant 2 : i32
      %add3A_101 = arith.addi %add3A_89, %add3A_100 : i32
      %lt3A_102 = arith.constant 50 : i32
      %lt3A_103 = arith.cmpi slt, %add3A_101, %lt3A_102 : i32
      %convert_element_type3A_104 = arith.extui %lt3A_103 : i1 to i32
      %cond3A_105 = arith.constant 0 : i32
      %cond3A_106 = arith.cmpi ne, %convert_element_type3A_104, %cond3A_105 : i32
      scf.if %cond3A_106 {
        %add3A_184 = arith.constant 2 : i32
        %add3A_185 = arith.addi %add3A_89, %add3A_184 : i32
        %mul3A_186 = arith.constant 100000 : i32
        %mul3A_187 = arith.muli %add3A, %mul3A_186 : i32
        %mul3A_188 = arith.constant 2000 : i32
        %mul3A_189 = arith.muli %add3A_185, %mul3A_188 : i32
        %add3A_190 = arith.addi %mul3A_187, %mul3A_189 : i32
        %dma_start3A_191 = tpu.memref_slice %arg2[%add3A_190] : memref<6400000xi32, #tpu.memory_space<hbm>> -> memref<2000xi32, #tpu.memory_space<hbm>>
        %dma_start3A_192 = tpu.memref_slice %arg2[%add3A_190] : memref<6400000xi32, #tpu.memory_space<hbm>> -> memref<2000xi32, #tpu.memory_space<hbm>>
        tpu.enqueue_dma source(%dma_start3A_192 : memref<2000xi32, #tpu.memory_space<hbm>>) target(%arg11 : memref<2000xi32, #tpu.memory_space<vmem>>) target_semaphore(%arg33 : memref<!tpu.dma_semaphore, #tpu.memory_space<semaphore_mem>>)
        %add3A_193 = arith.constant 3200000 : i32
        %add3A_194 = arith.addi %add3A_193, %add3A_190 : i32
        %dma_start3A_195 = tpu.memref_slice %arg2[%add3A_194] : memref<6400000xi32, #tpu.memory_space<hbm>> -> memref<2000xi32, #tpu.memory_space<hbm>>
        %dma_start3A_196 = tpu.memref_slice %arg2[%add3A_194] : memref<6400000xi32, #tpu.memory_space<hbm>> -> memref<2000xi32, #tpu.memory_space<hbm>>
        tpu.enqueue_dma source(%dma_start3A_196 : memref<2000xi32, #tpu.memory_space<hbm>>) target(%arg12 : memref<2000xi32, #tpu.memory_space<vmem>>) target_semaphore(%arg33 : memref<!tpu.dma_semaphore, #tpu.memory_space<semaphore_mem>>)
      } else {
      }
      %ge3A = arith.constant 2 : i32
      %ge3A_107 = arith.cmpi sge, %add3A_89, %ge3A : i32
      %convert_element_type3A_108 = arith.extui %ge3A_107 : i1 to i32
      %cond3A_109 = arith.constant 0 : i32
      %cond3A_110 = arith.cmpi ne, %convert_element_type3A_108, %cond3A_109 : i32
      scf.if %cond3A_110 {
        %dma_wait3A_184 = arith.constant 0 : i32
        %dma_wait3A_185 = tpu.memref_slice %arg5[%dma_wait3A_184] : memref<3200000xf32, #tpu.memory_space<hbm>> -> memref<2000xf32, #tpu.memory_space<hbm>>
        %dma_wait3A_186 = arith.constant 0 : i32
        %dma_wait3A_187 = tpu.memref_slice %arg5[%dma_wait3A_186] : memref<3200000xf32, #tpu.memory_space<hbm>> -> memref<2000xf32, #tpu.memory_space<hbm>>
        tpu.wait_dma2 semaphore(%arg35 : memref<!tpu.dma_semaphore, #tpu.memory_space<semaphore_mem>>) src(%arg19 : memref<2000xf32, #tpu.memory_space<vmem>>) dst(%dma_wait3A_187 : memref<2000xf32, #tpu.memory_space<hbm>>)
        %dma_wait3A_188 = arith.constant 0 : i32
        %dma_wait3A_189 = tpu.memref_slice %arg6[%dma_wait3A_188] : memref<3200000xf32, #tpu.memory_space<hbm>> -> memref<2000xf32, #tpu.memory_space<hbm>>
        %dma_wait3A_190 = arith.constant 0 : i32
        %dma_wait3A_191 = tpu.memref_slice %arg6[%dma_wait3A_190] : memref<3200000xf32, #tpu.memory_space<hbm>> -> memref<2000xf32, #tpu.memory_space<hbm>>
        tpu.wait_dma2 semaphore(%arg35 : memref<!tpu.dma_semaphore, #tpu.memory_space<semaphore_mem>>) src(%arg20 : memref<2000xf32, #tpu.memory_space<vmem>>) dst(%dma_wait3A_191 : memref<2000xf32, #tpu.memory_space<hbm>>)
        %dma_wait3A_192 = arith.constant 0 : i32
        %dma_wait3A_193 = tpu.memref_slice %arg7[%dma_wait3A_192] : memref<3200000xf32, #tpu.memory_space<hbm>> -> memref<2000xf32, #tpu.memory_space<hbm>>
        %dma_wait3A_194 = arith.constant 0 : i32
        %dma_wait3A_195 = tpu.memref_slice %arg7[%dma_wait3A_194] : memref<3200000xf32, #tpu.memory_space<hbm>> -> memref<2000xf32, #tpu.memory_space<hbm>>
        tpu.wait_dma2 semaphore(%arg35 : memref<!tpu.dma_semaphore, #tpu.memory_space<semaphore_mem>>) src(%arg21 : memref<2000xf32, #tpu.memory_space<vmem>>) dst(%dma_wait3A_195 : memref<2000xf32, #tpu.memory_space<hbm>>)
        %dma_wait3A_196 = arith.constant 0 : i32
        %dma_wait3A_197 = tpu.memref_slice %arg8[%dma_wait3A_196] : memref<3200000xf32, #tpu.memory_space<hbm>> -> memref<2000xf32, #tpu.memory_space<hbm>>
        %dma_wait3A_198 = arith.constant 0 : i32
        %dma_wait3A_199 = tpu.memref_slice %arg8[%dma_wait3A_198] : memref<3200000xf32, #tpu.memory_space<hbm>> -> memref<2000xf32, #tpu.memory_space<hbm>>
        tpu.wait_dma2 semaphore(%arg35 : memref<!tpu.dma_semaphore, #tpu.memory_space<semaphore_mem>>) src(%arg22 : memref<2000xf32, #tpu.memory_space<vmem>>) dst(%dma_wait3A_199 : memref<2000xf32, #tpu.memory_space<hbm>>)
        %dma_wait3A_200 = arith.constant 0 : i32
        %dma_wait3A_201 = tpu.memref_slice %arg9[%dma_wait3A_200] : memref<3200000xf32, #tpu.memory_space<hbm>> -> memref<2000xf32, #tpu.memory_space<hbm>>
        %dma_wait3A_202 = arith.constant 0 : i32
        %dma_wait3A_203 = tpu.memref_slice %arg9[%dma_wait3A_202] : memref<3200000xf32, #tpu.memory_space<hbm>> -> memref<2000xf32, #tpu.memory_space<hbm>>
        tpu.wait_dma2 semaphore(%arg35 : memref<!tpu.dma_semaphore, #tpu.memory_space<semaphore_mem>>) src(%arg23 : memref<2000xf32, #tpu.memory_space<vmem>>) dst(%dma_wait3A_203 : memref<2000xf32, #tpu.memory_space<hbm>>)
        %dma_wait3A_204 = arith.constant 0 : i32
        %dma_wait3A_205 = tpu.memref_slice %arg10[%dma_wait3A_204] : memref<3200000xf32, #tpu.memory_space<hbm>> -> memref<2000xf32, #tpu.memory_space<hbm>>
        %dma_wait3A_206 = arith.constant 0 : i32
        %dma_wait3A_207 = tpu.memref_slice %arg10[%dma_wait3A_206] : memref<3200000xf32, #tpu.memory_space<hbm>> -> memref<2000xf32, #tpu.memory_space<hbm>>
        tpu.wait_dma2 semaphore(%arg35 : memref<!tpu.dma_semaphore, #tpu.memory_space<semaphore_mem>>) src(%arg24 : memref<2000xf32, #tpu.memory_space<vmem>>) dst(%dma_wait3A_207 : memref<2000xf32, #tpu.memory_space<hbm>>)
      } else {
      }
      %scan3A_111 = arith.constant 0 : i32
      %scan3A_112 = arith.constant 0 : i32
      %scan3A_113 = arith.constant 125 : i32
      %scan3A_114 = arith.addi %scan3A_112, %scan3A_113 : i32
      %scan3A_115 = arith.constant 1 : i32
      scf.for %scan3A_184 = %scan3A_112 to %scan3A_114 step %scan3A_115  : i32 {
        %mul3A_185 = arith.constant 16 : i32
        %mul3A_186 = arith.muli %scan3A_184, %mul3A_185 : i32
        %iota3A = tpu.iota {dimensions = array<i32: 0>} : vector<16xi32>
        %add3A_187 = vector.broadcast %mul3A_186 : i32 to vector<16xi32>
        %add3A_188 = arith.addi %add3A_187, %iota3A : vector<16xi32>
        %broadcast_in_dim3A = arith.constant 0 : i32
        %broadcast_in_dim3A_189 = vector.broadcast %broadcast_in_dim3A : i32 to vector<16xi32>
        %gather3A = tpu.vector_load_idx %arg15[%add3A_188, %broadcast_in_dim3A_189] : memref<2000x8xf32, #tpu.memory_space<vmem>>[vector<16xi32>, vector<16xi32>], vector<16xf32>,
        %mul3A_190 = arith.constant 16 : i32
        %mul3A_191 = arith.muli %scan3A_184, %mul3A_190 : i32
        %swap3A = arith.index_cast %mul3A_191 : i32 to index
        %swap3A_192 = tpu.vector_load %arg19[%swap3A] {strides = array<i32>} : memref<2000xf32, #tpu.memory_space<vmem>>, vector<16xf32>,
        tpu.vector_store %arg19[%swap3A], %gather3A {strides = array<i32>} : memref<2000xf32, #tpu.memory_space<vmem>>, vector<16xf32>,
        %broadcast_in_dim3A_193 = arith.constant 1 : i32
        %broadcast_in_dim3A_194 = vector.broadcast %broadcast_in_dim3A_193 : i32 to vector<16xi32>
        %gather3A_195 = tpu.vector_load_idx %arg15[%add3A_188, %broadcast_in_dim3A_194] : memref<2000x8xf32, #tpu.memory_space<vmem>>[vector<16xi32>, vector<16xi32>], vector<16xf32>,
        %mul3A_196 = arith.constant 16 : i32
        %mul3A_197 = arith.muli %scan3A_184, %mul3A_196 : i32
        %swap3A_198 = arith.index_cast %mul3A_197 : i32 to index
        %swap3A_199 = tpu.vector_load %arg20[%swap3A_198] {strides = array<i32>} : memref<2000xf32, #tpu.memory_space<vmem>>, vector<16xf32>,
        tpu.vector_store %arg20[%swap3A_198], %gather3A_195 {strides = array<i32>} : memref<2000xf32, #tpu.memory_space<vmem>>, vector<16xf32>,
        %broadcast_in_dim3A_200 = arith.constant 2 : i32
        %broadcast_in_dim3A_201 = vector.broadcast %broadcast_in_dim3A_200 : i32 to vector<16xi32>
        %gather3A_202 = tpu.vector_load_idx %arg15[%add3A_188, %broadcast_in_dim3A_201] : memref<2000x8xf32, #tpu.memory_space<vmem>>[vector<16xi32>, vector<16xi32>], vector<16xf32>,
        %mul3A_203 = arith.constant 16 : i32
        %mul3A_204 = arith.muli %scan3A_184, %mul3A_203 : i32
        %swap3A_205 = arith.index_cast %mul3A_204 : i32 to index
        %swap3A_206 = tpu.vector_load %arg21[%swap3A_205] {strides = array<i32>} : memref<2000xf32, #tpu.memory_space<vmem>>, vector<16xf32>,
        tpu.vector_store %arg21[%swap3A_205], %gather3A_202 {strides = array<i32>} : memref<2000xf32, #tpu.memory_space<vmem>>, vector<16xf32>,
        %broadcast_in_dim3A_207 = arith.constant 0 : i32
        %broadcast_in_dim3A_208 = vector.broadcast %broadcast_in_dim3A_207 : i32 to vector<16xi32>
        %gather3A_209 = tpu.vector_load_idx %arg16[%add3A_188, %broadcast_in_dim3A_208] : memref<2000x8xf32, #tpu.memory_space<vmem>>[vector<16xi32>, vector<16xi32>], vector<16xf32>,
        %mul3A_210 = arith.constant 16 : i32
        %mul3A_211 = arith.muli %scan3A_184, %mul3A_210 : i32
        %swap3A_212 = arith.index_cast %mul3A_211 : i32 to index
        %swap3A_213 = tpu.vector_load %arg22[%swap3A_212] {strides = array<i32>} : memref<2000xf32, #tpu.memory_space<vmem>>, vector<16xf32>,
        tpu.vector_store %arg22[%swap3A_212], %gather3A_209 {strides = array<i32>} : memref<2000xf32, #tpu.memory_space<vmem>>, vector<16xf32>,
        %broadcast_in_dim3A_214 = arith.constant 1 : i32
        %broadcast_in_dim3A_215 = vector.broadcast %broadcast_in_dim3A_214 : i32 to vector<16xi32>
        %gather3A_216 = tpu.vector_load_idx %arg16[%add3A_188, %broadcast_in_dim3A_215] : memref<2000x8xf32, #tpu.memory_space<vmem>>[vector<16xi32>, vector<16xi32>], vector<16xf32>,
        %mul3A_217 = arith.constant 16 : i32
        %mul3A_218 = arith.muli %scan3A_184, %mul3A_217 : i32
        %swap3A_219 = arith.index_cast %mul3A_218 : i32 to index
        %swap3A_220 = tpu.vector_load %arg23[%swap3A_219] {strides = array<i32>} : memref<2000xf32, #tpu.memory_space<vmem>>, vector<16xf32>,
        tpu.vector_store %arg23[%swap3A_219], %gather3A_216 {strides = array<i32>} : memref<2000xf32, #tpu.memory_space<vmem>>, vector<16xf32>,
        %broadcast_in_dim3A_221 = arith.constant 2 : i32
        %broadcast_in_dim3A_222 = vector.broadcast %broadcast_in_dim3A_221 : i32 to vector<16xi32>
        %gather3A_223 = tpu.vector_load_idx %arg16[%add3A_188, %broadcast_in_dim3A_222] : memref<2000x8xf32, #tpu.memory_space<vmem>>[vector<16xi32>, vector<16xi32>], vector<16xf32>,
        %mul3A_224 = arith.constant 16 : i32
        %mul3A_225 = arith.muli %scan3A_184, %mul3A_224 : i32
        %swap3A_226 = arith.index_cast %mul3A_225 : i32 to index
        %swap3A_227 = tpu.vector_load %arg24[%swap3A_226] {strides = array<i32>} : memref<2000xf32, #tpu.memory_space<vmem>>, vector<16xf32>,
        tpu.vector_store %arg24[%swap3A_226], %gather3A_223 {strides = array<i32>} : memref<2000xf32, #tpu.memory_space<vmem>>, vector<16xf32>,
      }
      %scan3A_116 = arith.constant 125 : i32
      %mul3A_117 = arith.constant 100000 : i32
      %mul3A_118 = arith.muli %add3A, %mul3A_117 : i32
      %mul3A_119 = arith.constant 2000 : i32
      %mul3A_120 = arith.muli %add3A_89, %mul3A_119 : i32
      %add3A_121 = arith.addi %mul3A_118, %mul3A_120 : i32
      %dma_start3A_122 = tpu.memref_slice %arg5[%add3A_121] : memref<3200000xf32, #tpu.memory_space<hbm>> -> memref<2000xf32, #tpu.memory_space<hbm>>
      %dma_start3A_123 = tpu.memref_slice %arg5[%add3A_121] : memref<3200000xf32, #tpu.memory_space<hbm>> -> memref<2000xf32, #tpu.memory_space<hbm>>
      tpu.enqueue_dma source(%arg19 : memref<2000xf32, #tpu.memory_space<vmem>>) target(%dma_start3A_123 : memref<2000xf32, #tpu.memory_space<hbm>>) target_semaphore(%arg35 : memref<!tpu.dma_semaphore, #tpu.memory_space<semaphore_mem>>)
      %dma_start3A_124 = tpu.memref_slice %arg6[%add3A_121] : memref<3200000xf32, #tpu.memory_space<hbm>> -> memref<2000xf32, #tpu.memory_space<hbm>>
      %dma_start3A_125 = tpu.memref_slice %arg6[%add3A_121] : memref<3200000xf32, #tpu.memory_space<hbm>> -> memref<2000xf32, #tpu.memory_space<hbm>>
      tpu.enqueue_dma source(%arg20 : memref<2000xf32, #tpu.memory_space<vmem>>) target(%dma_start3A_125 : memref<2000xf32, #tpu.memory_space<hbm>>) target_semaphore(%arg35 : memref<!tpu.dma_semaphore, #tpu.memory_space<semaphore_mem>>)
      %dma_start3A_126 = tpu.memref_slice %arg7[%add3A_121] : memref<3200000xf32, #tpu.memory_space<hbm>> -> memref<2000xf32, #tpu.memory_space<hbm>>
      %dma_start3A_127 = tpu.memref_slice %arg7[%add3A_121] : memref<3200000xf32, #tpu.memory_space<hbm>> -> memref<2000xf32, #tpu.memory_space<hbm>>
      tpu.enqueue_dma source(%arg21 : memref<2000xf32, #tpu.memory_space<vmem>>) target(%dma_start3A_127 : memref<2000xf32, #tpu.memory_space<hbm>>) target_semaphore(%arg35 : memref<!tpu.dma_semaphore, #tpu.memory_space<semaphore_mem>>)
      %dma_start3A_128 = tpu.memref_slice %arg8[%add3A_121] : memref<3200000xf32, #tpu.memory_space<hbm>> -> memref<2000xf32, #tpu.memory_space<hbm>>
      %dma_start3A_129 = tpu.memref_slice %arg8[%add3A_121] : memref<3200000xf32, #tpu.memory_space<hbm>> -> memref<2000xf32, #tpu.memory_space<hbm>>
      tpu.enqueue_dma source(%arg22 : memref<2000xf32, #tpu.memory_space<vmem>>) target(%dma_start3A_129 : memref<2000xf32, #tpu.memory_space<hbm>>) target_semaphore(%arg35 : memref<!tpu.dma_semaphore, #tpu.memory_space<semaphore_mem>>)
      %dma_start3A_130 = tpu.memref_slice %arg9[%add3A_121] : memref<3200000xf32, #tpu.memory_space<hbm>> -> memref<2000xf32, #tpu.memory_space<hbm>>
      %dma_start3A_131 = tpu.memref_slice %arg9[%add3A_121] : memref<3200000xf32, #tpu.memory_space<hbm>> -> memref<2000xf32, #tpu.memory_space<hbm>>
      tpu.enqueue_dma source(%arg23 : memref<2000xf32, #tpu.memory_space<vmem>>) target(%dma_start3A_131 : memref<2000xf32, #tpu.memory_space<hbm>>) target_semaphore(%arg35 : memref<!tpu.dma_semaphore, #tpu.memory_space<semaphore_mem>>)
      %dma_start3A_132 = tpu.memref_slice %arg10[%add3A_121] : memref<3200000xf32, #tpu.memory_space<hbm>> -> memref<2000xf32, #tpu.memory_space<hbm>>
      %dma_start3A_133 = tpu.memref_slice %arg10[%add3A_121] : memref<3200000xf32, #tpu.memory_space<hbm>> -> memref<2000xf32, #tpu.memory_space<hbm>>
      tpu.enqueue_dma source(%arg24 : memref<2000xf32, #tpu.memory_space<vmem>>) target(%dma_start3A_133 : memref<2000xf32, #tpu.memory_space<hbm>>) target_semaphore(%arg35 : memref<!tpu.dma_semaphore, #tpu.memory_space<semaphore_mem>>)
      %add3A_134 = arith.constant 1 : i32
      %add3A_135 = arith.addi %add3A_89, %add3A_134 : i32
      %dma_wait3A_136 = arith.constant 0 : i32
      %dma_wait3A_137 = arith.constant 0 : i32
      %dma_wait3A_138 = tpu.memref_slice %arg3[%dma_wait3A_136, %dma_wait3A_137] : memref<100000x8xf32, #tpu.memory_space<hbm>> -> memref<100000x8xf32, #tpu.memory_space<hbm>>
      tpu.wait_indirect_dma semaphore(%arg32 : memref<!tpu.dma_semaphore, #tpu.memory_space<semaphore_mem>>) src(%dma_wait3A_138 : memref<100000x8xf32, #tpu.memory_space<hbm>>) dst(%arg17 : memref<2000x8xf32, #tpu.memory_space<vmem>>)
      %dma_wait3A_139 = arith.constant 0 : i32
      %dma_wait3A_140 = arith.constant 0 : i32
      %dma_wait3A_141 = tpu.memref_slice %arg4[%dma_wait3A_139, %dma_wait3A_140] : memref<100000x8xf32, #tpu.memory_space<hbm>> -> memref<100000x8xf32, #tpu.memory_space<hbm>>
      tpu.wait_indirect_dma semaphore(%arg32 : memref<!tpu.dma_semaphore, #tpu.memory_space<semaphore_mem>>) src(%dma_wait3A_141 : memref<100000x8xf32, #tpu.memory_space<hbm>>) dst(%arg18 : memref<2000x8xf32, #tpu.memory_space<vmem>>)
      %add3A_142 = arith.constant 1 : i32
      %add3A_143 = arith.addi %add3A_135, %add3A_142 : i32
      %lt3A_144 = arith.constant 50 : i32
      %lt3A_145 = arith.cmpi slt, %add3A_143, %lt3A_144 : i32
      %convert_element_type3A_146 = arith.extui %lt3A_145 : i1 to i32
      %cond3A_147 = arith.constant 0 : i32
      %cond3A_148 = arith.cmpi ne, %convert_element_type3A_146, %cond3A_147 : i32
      scf.if %cond3A_148 {
        %dma_wait3A_184 = arith.constant 0 : i32
        %dma_wait3A_185 = tpu.memref_slice %arg2[%dma_wait3A_184] : memref<6400000xi32, #tpu.memory_space<hbm>> -> memref<2000xi32, #tpu.memory_space<hbm>>
        %dma_wait3A_186 = arith.constant 0 : i32
        %dma_wait3A_187 = tpu.memref_slice %arg2[%dma_wait3A_186] : memref<6400000xi32, #tpu.memory_space<hbm>> -> memref<2000xi32, #tpu.memory_space<hbm>>
        tpu.wait_dma2 semaphore(%arg33 : memref<!tpu.dma_semaphore, #tpu.memory_space<semaphore_mem>>) src(%dma_wait3A_187 : memref<2000xi32, #tpu.memory_space<hbm>>) dst(%arg11 : memref<2000xi32, #tpu.memory_space<vmem>>)
        %dma_wait3A_188 = arith.constant 0 : i32
        %dma_wait3A_189 = tpu.memref_slice %arg2[%dma_wait3A_188] : memref<6400000xi32, #tpu.memory_space<hbm>> -> memref<2000xi32, #tpu.memory_space<hbm>>
        %dma_wait3A_190 = arith.constant 0 : i32
        %dma_wait3A_191 = tpu.memref_slice %arg2[%dma_wait3A_190] : memref<6400000xi32, #tpu.memory_space<hbm>> -> memref<2000xi32, #tpu.memory_space<hbm>>
        tpu.wait_dma2 semaphore(%arg33 : memref<!tpu.dma_semaphore, #tpu.memory_space<semaphore_mem>>) src(%dma_wait3A_191 : memref<2000xi32, #tpu.memory_space<hbm>>) dst(%arg12 : memref<2000xi32, #tpu.memory_space<vmem>>)
        %dma_start3A_192 = arith.constant 0 : i32
        %dma_start3A_193 = arith.constant 0 : i32
        %dma_start3A_194 = tpu.memref_slice %arg3[%dma_start3A_192, %dma_start3A_193] : memref<100000x8xf32, #tpu.memory_space<hbm>> -> memref<100000x8xf32, #tpu.memory_space<hbm>>
        tpu.enqueue_indirect_dma source(%dma_start3A_194 : memref<100000x8xf32, #tpu.memory_space<hbm>>) target(%arg15 : memref<2000x8xf32, #tpu.memory_space<vmem>>) offsets(%arg11 : memref<2000xi32, #tpu.memory_space<vmem>>) semaphore(%arg31 : memref<!tpu.dma_semaphore, #tpu.memory_space<semaphore_mem>>)
        %dma_start3A_195 = arith.constant 0 : i32
        %dma_start3A_196 = arith.constant 0 : i32
        %dma_start3A_197 = tpu.memref_slice %arg4[%dma_start3A_195, %dma_start3A_196] : memref<100000x8xf32, #tpu.memory_space<hbm>> -> memref<100000x8xf32, #tpu.memory_space<hbm>>
        tpu.enqueue_indirect_dma source(%dma_start3A_197 : memref<100000x8xf32, #tpu.memory_space<hbm>>) target(%arg16 : memref<2000x8xf32, #tpu.memory_space<vmem>>) offsets(%arg12 : memref<2000xi32, #tpu.memory_space<vmem>>) semaphore(%arg31 : memref<!tpu.dma_semaphore, #tpu.memory_space<semaphore_mem>>)
      } else {
      }
      %add3A_149 = arith.constant 2 : i32
      %add3A_150 = arith.addi %add3A_135, %add3A_149 : i32
      %lt3A_151 = arith.constant 50 : i32
      %lt3A_152 = arith.cmpi slt, %add3A_150, %lt3A_151 : i32
      %convert_element_type3A_153 = arith.extui %lt3A_152 : i1 to i32
      %cond3A_154 = arith.constant 0 : i32
      %cond3A_155 = arith.cmpi ne, %convert_element_type3A_153, %cond3A_154 : i32
      scf.if %cond3A_155 {
        %add3A_184 = arith.constant 2 : i32
        %add3A_185 = arith.addi %add3A_135, %add3A_184 : i32
        %mul3A_186 = arith.constant 100000 : i32
        %mul3A_187 = arith.muli %add3A, %mul3A_186 : i32
        %mul3A_188 = arith.constant 2000 : i32
        %mul3A_189 = arith.muli %add3A_185, %mul3A_188 : i32
        %add3A_190 = arith.addi %mul3A_187, %mul3A_189 : i32
        %dma_start3A_191 = tpu.memref_slice %arg2[%add3A_190] : memref<6400000xi32, #tpu.memory_space<hbm>> -> memref<2000xi32, #tpu.memory_space<hbm>>
        %dma_start3A_192 = tpu.memref_slice %arg2[%add3A_190] : memref<6400000xi32, #tpu.memory_space<hbm>> -> memref<2000xi32, #tpu.memory_space<hbm>>
        tpu.enqueue_dma source(%dma_start3A_192 : memref<2000xi32, #tpu.memory_space<hbm>>) target(%arg13 : memref<2000xi32, #tpu.memory_space<vmem>>) target_semaphore(%arg34 : memref<!tpu.dma_semaphore, #tpu.memory_space<semaphore_mem>>)
        %add3A_193 = arith.constant 3200000 : i32
        %add3A_194 = arith.addi %add3A_193, %add3A_190 : i32
        %dma_start3A_195 = tpu.memref_slice %arg2[%add3A_194] : memref<6400000xi32, #tpu.memory_space<hbm>> -> memref<2000xi32, #tpu.memory_space<hbm>>
        %dma_start3A_196 = tpu.memref_slice %arg2[%add3A_194] : memref<6400000xi32, #tpu.memory_space<hbm>> -> memref<2000xi32, #tpu.memory_space<hbm>>
        tpu.enqueue_dma source(%dma_start3A_196 : memref<2000xi32, #tpu.memory_space<hbm>>) target(%arg14 : memref<2000xi32, #tpu.memory_space<vmem>>) target_semaphore(%arg34 : memref<!tpu.dma_semaphore, #tpu.memory_space<semaphore_mem>>)
      } else {
      }
      %ge3A_156 = arith.constant 2 : i32
      %ge3A_157 = arith.cmpi sge, %add3A_135, %ge3A_156 : i32
      %convert_element_type3A_158 = arith.extui %ge3A_157 : i1 to i32
      %cond3A_159 = arith.constant 0 : i32
      %cond3A_160 = arith.cmpi ne, %convert_element_type3A_158, %cond3A_159 : i32
      scf.if %cond3A_160 {
        %dma_wait3A_184 = arith.constant 0 : i32
        %dma_wait3A_185 = tpu.memref_slice %arg5[%dma_wait3A_184] : memref<3200000xf32, #tpu.memory_space<hbm>> -> memref<2000xf32, #tpu.memory_space<hbm>>
        %dma_wait3A_186 = arith.constant 0 : i32
        %dma_wait3A_187 = tpu.memref_slice %arg5[%dma_wait3A_186] : memref<3200000xf32, #tpu.memory_space<hbm>> -> memref<2000xf32, #tpu.memory_space<hbm>>
        tpu.wait_dma2 semaphore(%arg36 : memref<!tpu.dma_semaphore, #tpu.memory_space<semaphore_mem>>) src(%arg25 : memref<2000xf32, #tpu.memory_space<vmem>>) dst(%dma_wait3A_187 : memref<2000xf32, #tpu.memory_space<hbm>>)
        %dma_wait3A_188 = arith.constant 0 : i32
        %dma_wait3A_189 = tpu.memref_slice %arg6[%dma_wait3A_188] : memref<3200000xf32, #tpu.memory_space<hbm>> -> memref<2000xf32, #tpu.memory_space<hbm>>
        %dma_wait3A_190 = arith.constant 0 : i32
        %dma_wait3A_191 = tpu.memref_slice %arg6[%dma_wait3A_190] : memref<3200000xf32, #tpu.memory_space<hbm>> -> memref<2000xf32, #tpu.memory_space<hbm>>
        tpu.wait_dma2 semaphore(%arg36 : memref<!tpu.dma_semaphore, #tpu.memory_space<semaphore_mem>>) src(%arg26 : memref<2000xf32, #tpu.memory_space<vmem>>) dst(%dma_wait3A_191 : memref<2000xf32, #tpu.memory_space<hbm>>)
        %dma_wait3A_192 = arith.constant 0 : i32
        %dma_wait3A_193 = tpu.memref_slice %arg7[%dma_wait3A_192] : memref<3200000xf32, #tpu.memory_space<hbm>> -> memref<2000xf32, #tpu.memory_space<hbm>>
        %dma_wait3A_194 = arith.constant 0 : i32
        %dma_wait3A_195 = tpu.memref_slice %arg7[%dma_wait3A_194] : memref<3200000xf32, #tpu.memory_space<hbm>> -> memref<2000xf32, #tpu.memory_space<hbm>>
        tpu.wait_dma2 semaphore(%arg36 : memref<!tpu.dma_semaphore, #tpu.memory_space<semaphore_mem>>) src(%arg27 : memref<2000xf32, #tpu.memory_space<vmem>>) dst(%dma_wait3A_195 : memref<2000xf32, #tpu.memory_space<hbm>>)
        %dma_wait3A_196 = arith.constant 0 : i32
        %dma_wait3A_197 = tpu.memref_slice %arg8[%dma_wait3A_196] : memref<3200000xf32, #tpu.memory_space<hbm>> -> memref<2000xf32, #tpu.memory_space<hbm>>
        %dma_wait3A_198 = arith.constant 0 : i32
        %dma_wait3A_199 = tpu.memref_slice %arg8[%dma_wait3A_198] : memref<3200000xf32, #tpu.memory_space<hbm>> -> memref<2000xf32, #tpu.memory_space<hbm>>
        tpu.wait_dma2 semaphore(%arg36 : memref<!tpu.dma_semaphore, #tpu.memory_space<semaphore_mem>>) src(%arg28 : memref<2000xf32, #tpu.memory_space<vmem>>) dst(%dma_wait3A_199 : memref<2000xf32, #tpu.memory_space<hbm>>)
        %dma_wait3A_200 = arith.constant 0 : i32
        %dma_wait3A_201 = tpu.memref_slice %arg9[%dma_wait3A_200] : memref<3200000xf32, #tpu.memory_space<hbm>> -> memref<2000xf32, #tpu.memory_space<hbm>>
        %dma_wait3A_202 = arith.constant 0 : i32
        %dma_wait3A_203 = tpu.memref_slice %arg9[%dma_wait3A_202] : memref<3200000xf32, #tpu.memory_space<hbm>> -> memref<2000xf32, #tpu.memory_space<hbm>>
        tpu.wait_dma2 semaphore(%arg36 : memref<!tpu.dma_semaphore, #tpu.memory_space<semaphore_mem>>) src(%arg29 : memref<2000xf32, #tpu.memory_space<vmem>>) dst(%dma_wait3A_203 : memref<2000xf32, #tpu.memory_space<hbm>>)
        %dma_wait3A_204 = arith.constant 0 : i32
        %dma_wait3A_205 = tpu.memref_slice %arg10[%dma_wait3A_204] : memref<3200000xf32, #tpu.memory_space<hbm>> -> memref<2000xf32, #tpu.memory_space<hbm>>
        %dma_wait3A_206 = arith.constant 0 : i32
        %dma_wait3A_207 = tpu.memref_slice %arg10[%dma_wait3A_206] : memref<3200000xf32, #tpu.memory_space<hbm>> -> memref<2000xf32, #tpu.memory_space<hbm>>
        tpu.wait_dma2 semaphore(%arg36 : memref<!tpu.dma_semaphore, #tpu.memory_space<semaphore_mem>>) src(%arg30 : memref<2000xf32, #tpu.memory_space<vmem>>) dst(%dma_wait3A_207 : memref<2000xf32, #tpu.memory_space<hbm>>)
      } else {
      }
      %scan3A_161 = arith.constant 0 : i32
      %scan3A_162 = arith.constant 0 : i32
      %scan3A_163 = arith.constant 125 : i32
      %scan3A_164 = arith.addi %scan3A_162, %scan3A_163 : i32
      %scan3A_165 = arith.constant 1 : i32
      scf.for %scan3A_184 = %scan3A_162 to %scan3A_164 step %scan3A_165  : i32 {
        %mul3A_185 = arith.constant 16 : i32
        %mul3A_186 = arith.muli %scan3A_184, %mul3A_185 : i32
        %iota3A = tpu.iota {dimensions = array<i32: 0>} : vector<16xi32>
        %add3A_187 = vector.broadcast %mul3A_186 : i32 to vector<16xi32>
        %add3A_188 = arith.addi %add3A_187, %iota3A : vector<16xi32>
        %broadcast_in_dim3A = arith.constant 0 : i32
        %broadcast_in_dim3A_189 = vector.broadcast %broadcast_in_dim3A : i32 to vector<16xi32>
        %gather3A = tpu.vector_load_idx %arg17[%add3A_188, %broadcast_in_dim3A_189] : memref<2000x8xf32, #tpu.memory_space<vmem>>[vector<16xi32>, vector<16xi32>], vector<16xf32>,
        %mul3A_190 = arith.constant 16 : i32
        %mul3A_191 = arith.muli %scan3A_184, %mul3A_190 : i32
        %swap3A = arith.index_cast %mul3A_191 : i32 to index
        %swap3A_192 = tpu.vector_load %arg25[%swap3A] {strides = array<i32>} : memref<2000xf32, #tpu.memory_space<vmem>>, vector<16xf32>,
        tpu.vector_store %arg25[%swap3A], %gather3A {strides = array<i32>} : memref<2000xf32, #tpu.memory_space<vmem>>, vector<16xf32>,
        %broadcast_in_dim3A_193 = arith.constant 1 : i32
        %broadcast_in_dim3A_194 = vector.broadcast %broadcast_in_dim3A_193 : i32 to vector<16xi32>
        %gather3A_195 = tpu.vector_load_idx %arg17[%add3A_188, %broadcast_in_dim3A_194] : memref<2000x8xf32, #tpu.memory_space<vmem>>[vector<16xi32>, vector<16xi32>], vector<16xf32>,
        %mul3A_196 = arith.constant 16 : i32
        %mul3A_197 = arith.muli %scan3A_184, %mul3A_196 : i32
        %swap3A_198 = arith.index_cast %mul3A_197 : i32 to index
        %swap3A_199 = tpu.vector_load %arg26[%swap3A_198] {strides = array<i32>} : memref<2000xf32, #tpu.memory_space<vmem>>, vector<16xf32>,
        tpu.vector_store %arg26[%swap3A_198], %gather3A_195 {strides = array<i32>} : memref<2000xf32, #tpu.memory_space<vmem>>, vector<16xf32>,
        %broadcast_in_dim3A_200 = arith.constant 2 : i32
        %broadcast_in_dim3A_201 = vector.broadcast %broadcast_in_dim3A_200 : i32 to vector<16xi32>
        %gather3A_202 = tpu.vector_load_idx %arg17[%add3A_188, %broadcast_in_dim3A_201] : memref<2000x8xf32, #tpu.memory_space<vmem>>[vector<16xi32>, vector<16xi32>], vector<16xf32>,
        %mul3A_203 = arith.constant 16 : i32
        %mul3A_204 = arith.muli %scan3A_184, %mul3A_203 : i32
        %swap3A_205 = arith.index_cast %mul3A_204 : i32 to index
        %swap3A_206 = tpu.vector_load %arg27[%swap3A_205] {strides = array<i32>} : memref<2000xf32, #tpu.memory_space<vmem>>, vector<16xf32>,
        tpu.vector_store %arg27[%swap3A_205], %gather3A_202 {strides = array<i32>} : memref<2000xf32, #tpu.memory_space<vmem>>, vector<16xf32>,
        %broadcast_in_dim3A_207 = arith.constant 0 : i32
        %broadcast_in_dim3A_208 = vector.broadcast %broadcast_in_dim3A_207 : i32 to vector<16xi32>
        %gather3A_209 = tpu.vector_load_idx %arg18[%add3A_188, %broadcast_in_dim3A_208] : memref<2000x8xf32, #tpu.memory_space<vmem>>[vector<16xi32>, vector<16xi32>], vector<16xf32>,
        %mul3A_210 = arith.constant 16 : i32
        %mul3A_211 = arith.muli %scan3A_184, %mul3A_210 : i32
        %swap3A_212 = arith.index_cast %mul3A_211 : i32 to index
        %swap3A_213 = tpu.vector_load %arg28[%swap3A_212] {strides = array<i32>} : memref<2000xf32, #tpu.memory_space<vmem>>, vector<16xf32>,
        tpu.vector_store %arg28[%swap3A_212], %gather3A_209 {strides = array<i32>} : memref<2000xf32, #tpu.memory_space<vmem>>, vector<16xf32>,
        %broadcast_in_dim3A_214 = arith.constant 1 : i32
        %broadcast_in_dim3A_215 = vector.broadcast %broadcast_in_dim3A_214 : i32 to vector<16xi32>
        %gather3A_216 = tpu.vector_load_idx %arg18[%add3A_188, %broadcast_in_dim3A_215] : memref<2000x8xf32, #tpu.memory_space<vmem>>[vector<16xi32>, vector<16xi32>], vector<16xf32>,
        %mul3A_217 = arith.constant 16 : i32
        %mul3A_218 = arith.muli %scan3A_184, %mul3A_217 : i32
        %swap3A_219 = arith.index_cast %mul3A_218 : i32 to index
        %swap3A_220 = tpu.vector_load %arg29[%swap3A_219] {strides = array<i32>} : memref<2000xf32, #tpu.memory_space<vmem>>, vector<16xf32>,
        tpu.vector_store %arg29[%swap3A_219], %gather3A_216 {strides = array<i32>} : memref<2000xf32, #tpu.memory_space<vmem>>, vector<16xf32>,
        %broadcast_in_dim3A_221 = arith.constant 2 : i32
        %broadcast_in_dim3A_222 = vector.broadcast %broadcast_in_dim3A_221 : i32 to vector<16xi32>
        %gather3A_223 = tpu.vector_load_idx %arg18[%add3A_188, %broadcast_in_dim3A_222] : memref<2000x8xf32, #tpu.memory_space<vmem>>[vector<16xi32>, vector<16xi32>], vector<16xf32>,
        %mul3A_224 = arith.constant 16 : i32
        %mul3A_225 = arith.muli %scan3A_184, %mul3A_224 : i32
        %swap3A_226 = arith.index_cast %mul3A_225 : i32 to index
        %swap3A_227 = tpu.vector_load %arg30[%swap3A_226] {strides = array<i32>} : memref<2000xf32, #tpu.memory_space<vmem>>, vector<16xf32>,
        tpu.vector_store %arg30[%swap3A_226], %gather3A_223 {strides = array<i32>} : memref<2000xf32, #tpu.memory_space<vmem>>, vector<16xf32>,
      }
      %scan3A_166 = arith.constant 125 : i32
      %mul3A_167 = arith.constant 100000 : i32
      %mul3A_168 = arith.muli %add3A, %mul3A_167 : i32
      %mul3A_169 = arith.constant 2000 : i32
      %mul3A_170 = arith.muli %add3A_135, %mul3A_169 : i32
      %add3A_171 = arith.addi %mul3A_168, %mul3A_170 : i32
      %dma_start3A_172 = tpu.memref_slice %arg5[%add3A_171] : memref<3200000xf32, #tpu.memory_space<hbm>> -> memref<2000xf32, #tpu.memory_space<hbm>>
      %dma_start3A_173 = tpu.memref_slice %arg5[%add3A_171] : memref<3200000xf32, #tpu.memory_space<hbm>> -> memref<2000xf32, #tpu.memory_space<hbm>>
      tpu.enqueue_dma source(%arg25 : memref<2000xf32, #tpu.memory_space<vmem>>) target(%dma_start3A_173 : memref<2000xf32, #tpu.memory_space<hbm>>) target_semaphore(%arg36 : memref<!tpu.dma_semaphore, #tpu.memory_space<semaphore_mem>>)
      %dma_start3A_174 = tpu.memref_slice %arg6[%add3A_171] : memref<3200000xf32, #tpu.memory_space<hbm>> -> memref<2000xf32, #tpu.memory_space<hbm>>
      %dma_start3A_175 = tpu.memref_slice %arg6[%add3A_171] : memref<3200000xf32, #tpu.memory_space<hbm>> -> memref<2000xf32, #tpu.memory_space<hbm>>
      tpu.enqueue_dma source(%arg26 : memref<2000xf32, #tpu.memory_space<vmem>>) target(%dma_start3A_175 : memref<2000xf32, #tpu.memory_space<hbm>>) target_semaphore(%arg36 : memref<!tpu.dma_semaphore, #tpu.memory_space<semaphore_mem>>)
      %dma_start3A_176 = tpu.memref_slice %arg7[%add3A_171] : memref<3200000xf32, #tpu.memory_space<hbm>> -> memref<2000xf32, #tpu.memory_space<hbm>>
      %dma_start3A_177 = tpu.memref_slice %arg7[%add3A_171] : memref<3200000xf32, #tpu.memory_space<hbm>> -> memref<2000xf32, #tpu.memory_space<hbm>>
      tpu.enqueue_dma source(%arg27 : memref<2000xf32, #tpu.memory_space<vmem>>) target(%dma_start3A_177 : memref<2000xf32, #tpu.memory_space<hbm>>) target_semaphore(%arg36 : memref<!tpu.dma_semaphore, #tpu.memory_space<semaphore_mem>>)
      %dma_start3A_178 = tpu.memref_slice %arg8[%add3A_171] : memref<3200000xf32, #tpu.memory_space<hbm>> -> memref<2000xf32, #tpu.memory_space<hbm>>
      %dma_start3A_179 = tpu.memref_slice %arg8[%add3A_171] : memref<3200000xf32, #tpu.memory_space<hbm>> -> memref<2000xf32, #tpu.memory_space<hbm>>
      tpu.enqueue_dma source(%arg28 : memref<2000xf32, #tpu.memory_space<vmem>>) target(%dma_start3A_179 : memref<2000xf32, #tpu.memory_space<hbm>>) target_semaphore(%arg36 : memref<!tpu.dma_semaphore, #tpu.memory_space<semaphore_mem>>)
      %dma_start3A_180 = tpu.memref_slice %arg9[%add3A_171] : memref<3200000xf32, #tpu.memory_space<hbm>> -> memref<2000xf32, #tpu.memory_space<hbm>>
      %dma_start3A_181 = tpu.memref_slice %arg9[%add3A_171] : memref<3200000xf32, #tpu.memory_space<hbm>> -> memref<2000xf32, #tpu.memory_space<hbm>>
      tpu.enqueue_dma source(%arg29 : memref<2000xf32, #tpu.memory_space<vmem>>) target(%dma_start3A_181 : memref<2000xf32, #tpu.memory_space<hbm>>) target_semaphore(%arg36 : memref<!tpu.dma_semaphore, #tpu.memory_space<semaphore_mem>>)
      %dma_start3A_182 = tpu.memref_slice %arg10[%add3A_171] : memref<3200000xf32, #tpu.memory_space<hbm>> -> memref<2000xf32, #tpu.memory_space<hbm>>
      %dma_start3A_183 = tpu.memref_slice %arg10[%add3A_171] : memref<3200000xf32, #tpu.memory_space<hbm>> -> memref<2000xf32, #tpu.memory_space<hbm>>
      tpu.enqueue_dma source(%arg30 : memref<2000xf32, #tpu.memory_space<vmem>>) target(%dma_start3A_183 : memref<2000xf32, #tpu.memory_space<hbm>>) target_semaphore(%arg36 : memref<!tpu.dma_semaphore, #tpu.memory_space<semaphore_mem>>)
    }
    %scan3A_36 = arith.constant 25 : i32
    %dma_wait3A_37 = arith.constant 0 : i32
    %dma_wait3A_38 = tpu.memref_slice %arg5[%dma_wait3A_37] : memref<3200000xf32, #tpu.memory_space<hbm>> -> memref<2000xf32, #tpu.memory_space<hbm>>
    %dma_wait3A_39 = arith.constant 0 : i32
    %dma_wait3A_40 = tpu.memref_slice %arg5[%dma_wait3A_39] : memref<3200000xf32, #tpu.memory_space<hbm>> -> memref<2000xf32, #tpu.memory_space<hbm>>
    tpu.wait_dma2 semaphore(%arg35 : memref<!tpu.dma_semaphore, #tpu.memory_space<semaphore_mem>>) src(%arg19 : memref<2000xf32, #tpu.memory_space<vmem>>) dst(%dma_wait3A_40 : memref<2000xf32, #tpu.memory_space<hbm>>)
    %dma_wait3A_41 = arith.constant 0 : i32
    %dma_wait3A_42 = tpu.memref_slice %arg6[%dma_wait3A_41] : memref<3200000xf32, #tpu.memory_space<hbm>> -> memref<2000xf32, #tpu.memory_space<hbm>>
    %dma_wait3A_43 = arith.constant 0 : i32
    %dma_wait3A_44 = tpu.memref_slice %arg6[%dma_wait3A_43] : memref<3200000xf32, #tpu.memory_space<hbm>> -> memref<2000xf32, #tpu.memory_space<hbm>>
    tpu.wait_dma2 semaphore(%arg35 : memref<!tpu.dma_semaphore, #tpu.memory_space<semaphore_mem>>) src(%arg20 : memref<2000xf32, #tpu.memory_space<vmem>>) dst(%dma_wait3A_44 : memref<2000xf32, #tpu.memory_space<hbm>>)
    %dma_wait3A_45 = arith.constant 0 : i32
    %dma_wait3A_46 = tpu.memref_slice %arg7[%dma_wait3A_45] : memref<3200000xf32, #tpu.memory_space<hbm>> -> memref<2000xf32, #tpu.memory_space<hbm>>
    %dma_wait3A_47 = arith.constant 0 : i32
    %dma_wait3A_48 = tpu.memref_slice %arg7[%dma_wait3A_47] : memref<3200000xf32, #tpu.memory_space<hbm>> -> memref<2000xf32, #tpu.memory_space<hbm>>
    tpu.wait_dma2 semaphore(%arg35 : memref<!tpu.dma_semaphore, #tpu.memory_space<semaphore_mem>>) src(%arg21 : memref<2000xf32, #tpu.memory_space<vmem>>) dst(%dma_wait3A_48 : memref<2000xf32, #tpu.memory_space<hbm>>)
    %dma_wait3A_49 = arith.constant 0 : i32
    %dma_wait3A_50 = tpu.memref_slice %arg8[%dma_wait3A_49] : memref<3200000xf32, #tpu.memory_space<hbm>> -> memref<2000xf32, #tpu.memory_space<hbm>>
    %dma_wait3A_51 = arith.constant 0 : i32
    %dma_wait3A_52 = tpu.memref_slice %arg8[%dma_wait3A_51] : memref<3200000xf32, #tpu.memory_space<hbm>> -> memref<2000xf32, #tpu.memory_space<hbm>>
    tpu.wait_dma2 semaphore(%arg35 : memref<!tpu.dma_semaphore, #tpu.memory_space<semaphore_mem>>) src(%arg22 : memref<2000xf32, #tpu.memory_space<vmem>>) dst(%dma_wait3A_52 : memref<2000xf32, #tpu.memory_space<hbm>>)
    %dma_wait3A_53 = arith.constant 0 : i32
    %dma_wait3A_54 = tpu.memref_slice %arg9[%dma_wait3A_53] : memref<3200000xf32, #tpu.memory_space<hbm>> -> memref<2000xf32, #tpu.memory_space<hbm>>
    %dma_wait3A_55 = arith.constant 0 : i32
    %dma_wait3A_56 = tpu.memref_slice %arg9[%dma_wait3A_55] : memref<3200000xf32, #tpu.memory_space<hbm>> -> memref<2000xf32, #tpu.memory_space<hbm>>
    tpu.wait_dma2 semaphore(%arg35 : memref<!tpu.dma_semaphore, #tpu.memory_space<semaphore_mem>>) src(%arg23 : memref<2000xf32, #tpu.memory_space<vmem>>) dst(%dma_wait3A_56 : memref<2000xf32, #tpu.memory_space<hbm>>)
    %dma_wait3A_57 = arith.constant 0 : i32
    %dma_wait3A_58 = tpu.memref_slice %arg10[%dma_wait3A_57] : memref<3200000xf32, #tpu.memory_space<hbm>> -> memref<2000xf32, #tpu.memory_space<hbm>>
    %dma_wait3A_59 = arith.constant 0 : i32
    %dma_wait3A_60 = tpu.memref_slice %arg10[%dma_wait3A_59] : memref<3200000xf32, #tpu.memory_space<hbm>> -> memref<2000xf32, #tpu.memory_space<hbm>>
    tpu.wait_dma2 semaphore(%arg35 : memref<!tpu.dma_semaphore, #tpu.memory_space<semaphore_mem>>) src(%arg24 : memref<2000xf32, #tpu.memory_space<vmem>>) dst(%dma_wait3A_60 : memref<2000xf32, #tpu.memory_space<hbm>>)
    %dma_wait3A_61 = arith.constant 0 : i32
    %dma_wait3A_62 = tpu.memref_slice %arg5[%dma_wait3A_61] : memref<3200000xf32, #tpu.memory_space<hbm>> -> memref<2000xf32, #tpu.memory_space<hbm>>
    %dma_wait3A_63 = arith.constant 0 : i32
    %dma_wait3A_64 = tpu.memref_slice %arg5[%dma_wait3A_63] : memref<3200000xf32, #tpu.memory_space<hbm>> -> memref<2000xf32, #tpu.memory_space<hbm>>
    tpu.wait_dma2 semaphore(%arg36 : memref<!tpu.dma_semaphore, #tpu.memory_space<semaphore_mem>>) src(%arg25 : memref<2000xf32, #tpu.memory_space<vmem>>) dst(%dma_wait3A_64 : memref<2000xf32, #tpu.memory_space<hbm>>)
    %dma_wait3A_65 = arith.constant 0 : i32
    %dma_wait3A_66 = tpu.memref_slice %arg6[%dma_wait3A_65] : memref<3200000xf32, #tpu.memory_space<hbm>> -> memref<2000xf32, #tpu.memory_space<hbm>>
    %dma_wait3A_67 = arith.constant 0 : i32
    %dma_wait3A_68 = tpu.memref_slice %arg6[%dma_wait3A_67] : memref<3200000xf32, #tpu.memory_space<hbm>> -> memref<2000xf32, #tpu.memory_space<hbm>>
    tpu.wait_dma2 semaphore(%arg36 : memref<!tpu.dma_semaphore, #tpu.memory_space<semaphore_mem>>) src(%arg26 : memref<2000xf32, #tpu.memory_space<vmem>>) dst(%dma_wait3A_68 : memref<2000xf32, #tpu.memory_space<hbm>>)
    %dma_wait3A_69 = arith.constant 0 : i32
    %dma_wait3A_70 = tpu.memref_slice %arg7[%dma_wait3A_69] : memref<3200000xf32, #tpu.memory_space<hbm>> -> memref<2000xf32, #tpu.memory_space<hbm>>
    %dma_wait3A_71 = arith.constant 0 : i32
    %dma_wait3A_72 = tpu.memref_slice %arg7[%dma_wait3A_71] : memref<3200000xf32, #tpu.memory_space<hbm>> -> memref<2000xf32, #tpu.memory_space<hbm>>
    tpu.wait_dma2 semaphore(%arg36 : memref<!tpu.dma_semaphore, #tpu.memory_space<semaphore_mem>>) src(%arg27 : memref<2000xf32, #tpu.memory_space<vmem>>) dst(%dma_wait3A_72 : memref<2000xf32, #tpu.memory_space<hbm>>)
    %dma_wait3A_73 = arith.constant 0 : i32
    %dma_wait3A_74 = tpu.memref_slice %arg8[%dma_wait3A_73] : memref<3200000xf32, #tpu.memory_space<hbm>> -> memref<2000xf32, #tpu.memory_space<hbm>>
    %dma_wait3A_75 = arith.constant 0 : i32
    %dma_wait3A_76 = tpu.memref_slice %arg8[%dma_wait3A_75] : memref<3200000xf32, #tpu.memory_space<hbm>> -> memref<2000xf32, #tpu.memory_space<hbm>>
    tpu.wait_dma2 semaphore(%arg36 : memref<!tpu.dma_semaphore, #tpu.memory_space<semaphore_mem>>) src(%arg28 : memref<2000xf32, #tpu.memory_space<vmem>>) dst(%dma_wait3A_76 : memref<2000xf32, #tpu.memory_space<hbm>>)
    %dma_wait3A_77 = arith.constant 0 : i32
    %dma_wait3A_78 = tpu.memref_slice %arg9[%dma_wait3A_77] : memref<3200000xf32, #tpu.memory_space<hbm>> -> memref<2000xf32, #tpu.memory_space<hbm>>
    %dma_wait3A_79 = arith.constant 0 : i32
    %dma_wait3A_80 = tpu.memref_slice %arg9[%dma_wait3A_79] : memref<3200000xf32, #tpu.memory_space<hbm>> -> memref<2000xf32, #tpu.memory_space<hbm>>
    tpu.wait_dma2 semaphore(%arg36 : memref<!tpu.dma_semaphore, #tpu.memory_space<semaphore_mem>>) src(%arg29 : memref<2000xf32, #tpu.memory_space<vmem>>) dst(%dma_wait3A_80 : memref<2000xf32, #tpu.memory_space<hbm>>)
    %dma_wait3A_81 = arith.constant 0 : i32
    %dma_wait3A_82 = tpu.memref_slice %arg10[%dma_wait3A_81] : memref<3200000xf32, #tpu.memory_space<hbm>> -> memref<2000xf32, #tpu.memory_space<hbm>>
    %dma_wait3A_83 = arith.constant 0 : i32
    %dma_wait3A_84 = tpu.memref_slice %arg10[%dma_wait3A_83] : memref<3200000xf32, #tpu.memory_space<hbm>> -> memref<2000xf32, #tpu.memory_space<hbm>>
    tpu.wait_dma2 semaphore(%arg36 : memref<!tpu.dma_semaphore, #tpu.memory_space<semaphore_mem>>) src(%arg30 : memref<2000xf32, #tpu.memory_space<vmem>>) dst(%dma_wait3A_84 : memref<2000xf32, #tpu.memory_space<hbm>>)
    return
  }
}

#map = affine_map<(d0, d1) -> (0)>
#map1 = affine_map<(d0, d1) -> (0, 0)>
module attributes {stable_mosaic.version = 14 : i64} {
  func.func @run(%arg0: i32, %arg1: i32, %arg2: memref<100000xi32, #tpu.memory_space<hbm>>, %arg3: memref<100000xi32, #tpu.memory_space<hbm>>, %arg4: memref<100000x8xf32, #tpu.memory_space<hbm>>, %arg5: memref<100000x8xf32, #tpu.memory_space<hbm>>, %arg6: memref<100000x8xf32, #tpu.memory_space<hbm>>, %arg7: memref<100000x8xf32, #tpu.memory_space<hbm>>, %arg8: memref<1000xi32, #tpu.memory_space<vmem>>, %arg9: memref<1000x8xf32, #tpu.memory_space<vmem>>, %arg10: memref<!tpu.dma_semaphore, #tpu.memory_space<semaphore_mem>>) attributes {dimension_semantics = [#tpu.dimension_semantics<core_parallel>, #tpu.dimension_semantics<subcore_parallel>], iteration_bounds = array<i64: 2, 16>, scalar_prefetch = 0 : i64, scratch_operands = 3 : i64, tpu.core_type = #tpu.core_type<sc_vector_subcore>, window_params = [{transform_indices = #map}, {transform_indices = #map}, {transform_indices = #map1}, {transform_indices = #map1}, {transform_indices = #map1}, {transform_indices = #map1}]} {
    %mul3A = arith.constant 2 : i32
    %mul3A_0 = arith.muli %arg1, %mul3A : i32
    %add3A = arith.addi %mul3A_0, %arg0 : i32
    %scan3A = arith.constant 0 : i32
    %scan3A_1 = arith.constant 0 : i32
    %scan3A_2 = arith.constant 4 : i32
    %scan3A_3 = arith.addi %scan3A_1, %scan3A_2 : i32
    %scan3A_4 = arith.constant 1 : i32
    scf.for %scan3A_6 = %scan3A_1 to %scan3A_3 step %scan3A_4  : i32 {
      %mul3A_7 = arith.constant 32 : i32
      %mul3A_8 = arith.muli %mul3A_7, %scan3A_6 : i32
      %add3A_9 = arith.addi %add3A, %mul3A_8 : i32
      %lt3A = arith.constant 100 : i32
      %lt3A_10 = arith.cmpi slt, %add3A_9, %lt3A : i32
      %convert_element_type3A = arith.extui %lt3A_10 : i1 to i32
      %cond3A = arith.constant 0 : i32
      %cond3A_11 = arith.cmpi ne, %convert_element_type3A, %cond3A : i32
      scf.if %cond3A_11 {
        %mul3A_12 = arith.constant 1000 : i32
        %mul3A_13 = arith.muli %add3A_9, %mul3A_12 : i32
        "tpu.region"() ({
          %run_scoped3A = tpu.sem_alloc : memref<!tpu.dma_semaphore, #tpu.memory_space<semaphore_mem>>
          %dma_start3A_24 = tpu.memref_slice %arg2[%mul3A_13] : memref<100000xi32, #tpu.memory_space<hbm>> -> memref<1000xi32, #tpu.memory_space<hbm>>
          %dma_start3A_25 = tpu.memref_slice %arg2[%mul3A_13] : memref<100000xi32, #tpu.memory_space<hbm>> -> memref<1000xi32, #tpu.memory_space<hbm>>
          tpu.enqueue_dma source(%dma_start3A_25 : memref<1000xi32, #tpu.memory_space<hbm>>) target(%arg8 : memref<1000xi32, #tpu.memory_space<vmem>>) target_semaphore(%run_scoped3A : memref<!tpu.dma_semaphore, #tpu.memory_space<semaphore_mem>>)
          %dma_wait3A_26 = tpu.memref_slice %arg2[%mul3A_13] : memref<100000xi32, #tpu.memory_space<hbm>> -> memref<1000xi32, #tpu.memory_space<hbm>>
          %dma_wait3A_27 = tpu.memref_slice %arg2[%mul3A_13] : memref<100000xi32, #tpu.memory_space<hbm>> -> memref<1000xi32, #tpu.memory_space<hbm>>
          tpu.wait_dma2 semaphore(%run_scoped3A : memref<!tpu.dma_semaphore, #tpu.memory_space<semaphore_mem>>) src(%dma_wait3A_27 : memref<1000xi32, #tpu.memory_space<hbm>>) dst(%arg8 : memref<1000xi32, #tpu.memory_space<vmem>>)
          tpu.yield
        }) : () -> ()
        %dma_start3A = arith.constant 0 : i32
        %dma_start3A_14 = arith.constant 0 : i32
        %dma_start3A_15 = tpu.memref_slice %arg4[%dma_start3A, %dma_start3A_14] : memref<100000x8xf32, #tpu.memory_space<hbm>> -> memref<100000x8xf32, #tpu.memory_space<hbm>>
        tpu.enqueue_indirect_dma source(%dma_start3A_15 : memref<100000x8xf32, #tpu.memory_space<hbm>>) target(%arg9 : memref<1000x8xf32, #tpu.memory_space<vmem>>) offsets(%arg8 : memref<1000xi32, #tpu.memory_space<vmem>>) semaphore(%arg10 : memref<!tpu.dma_semaphore, #tpu.memory_space<semaphore_mem>>)
        %dma_wait3A = arith.constant 0 : i32
        %dma_wait3A_16 = arith.constant 0 : i32
        %dma_wait3A_17 = tpu.memref_slice %arg4[%dma_wait3A, %dma_wait3A_16] : memref<100000x8xf32, #tpu.memory_space<hbm>> -> memref<100000x8xf32, #tpu.memory_space<hbm>>
        tpu.wait_indirect_dma semaphore(%arg10 : memref<!tpu.dma_semaphore, #tpu.memory_space<semaphore_mem>>) src(%dma_wait3A_17 : memref<100000x8xf32, #tpu.memory_space<hbm>>) dst(%arg9 : memref<1000x8xf32, #tpu.memory_space<vmem>>)
        "tpu.region"() ({
          %run_scoped3A = tpu.sem_alloc : memref<!tpu.dma_semaphore, #tpu.memory_space<semaphore_mem>>
          %dma_start3A_24 = arith.constant 0 : i32
          %dma_start3A_25 = tpu.memref_slice %arg6[%mul3A_13, %dma_start3A_24] : memref<100000x8xf32, #tpu.memory_space<hbm>> -> memref<1000x8xf32, #tpu.memory_space<hbm>>
          %dma_start3A_26 = arith.constant 0 : i32
          %dma_start3A_27 = tpu.memref_slice %arg6[%mul3A_13, %dma_start3A_26] : memref<100000x8xf32, #tpu.memory_space<hbm>> -> memref<1000x8xf32, #tpu.memory_space<hbm>>
          tpu.enqueue_dma source(%arg9 : memref<1000x8xf32, #tpu.memory_space<vmem>>) target(%dma_start3A_27 : memref<1000x8xf32, #tpu.memory_space<hbm>>) target_semaphore(%run_scoped3A : memref<!tpu.dma_semaphore, #tpu.memory_space<semaphore_mem>>)
          %dma_wait3A_28 = arith.constant 0 : i32
          %dma_wait3A_29 = tpu.memref_slice %arg6[%mul3A_13, %dma_wait3A_28] : memref<100000x8xf32, #tpu.memory_space<hbm>> -> memref<1000x8xf32, #tpu.memory_space<hbm>>
          %dma_wait3A_30 = arith.constant 0 : i32
          %dma_wait3A_31 = tpu.memref_slice %arg6[%mul3A_13, %dma_wait3A_30] : memref<100000x8xf32, #tpu.memory_space<hbm>> -> memref<1000x8xf32, #tpu.memory_space<hbm>>
          tpu.wait_dma2 semaphore(%run_scoped3A : memref<!tpu.dma_semaphore, #tpu.memory_space<semaphore_mem>>) src(%arg9 : memref<1000x8xf32, #tpu.memory_space<vmem>>) dst(%dma_wait3A_31 : memref<1000x8xf32, #tpu.memory_space<hbm>>)
          tpu.yield
        }) : () -> ()
        "tpu.region"() ({
          %run_scoped3A = tpu.sem_alloc : memref<!tpu.dma_semaphore, #tpu.memory_space<semaphore_mem>>
          %dma_start3A_24 = tpu.memref_slice %arg3[%mul3A_13] : memref<100000xi32, #tpu.memory_space<hbm>> -> memref<1000xi32, #tpu.memory_space<hbm>>
          %dma_start3A_25 = tpu.memref_slice %arg3[%mul3A_13] : memref<100000xi32, #tpu.memory_space<hbm>> -> memref<1000xi32, #tpu.memory_space<hbm>>
          tpu.enqueue_dma source(%dma_start3A_25 : memref<1000xi32, #tpu.memory_space<hbm>>) target(%arg8 : memref<1000xi32, #tpu.memory_space<vmem>>) target_semaphore(%run_scoped3A : memref<!tpu.dma_semaphore, #tpu.memory_space<semaphore_mem>>)
          %dma_wait3A_26 = tpu.memref_slice %arg3[%mul3A_13] : memref<100000xi32, #tpu.memory_space<hbm>> -> memref<1000xi32, #tpu.memory_space<hbm>>
          %dma_wait3A_27 = tpu.memref_slice %arg3[%mul3A_13] : memref<100000xi32, #tpu.memory_space<hbm>> -> memref<1000xi32, #tpu.memory_space<hbm>>
          tpu.wait_dma2 semaphore(%run_scoped3A : memref<!tpu.dma_semaphore, #tpu.memory_space<semaphore_mem>>) src(%dma_wait3A_27 : memref<1000xi32, #tpu.memory_space<hbm>>) dst(%arg8 : memref<1000xi32, #tpu.memory_space<vmem>>)
          tpu.yield
        }) : () -> ()
        %dma_start3A_18 = arith.constant 0 : i32
        %dma_start3A_19 = arith.constant 0 : i32
        %dma_start3A_20 = tpu.memref_slice %arg5[%dma_start3A_18, %dma_start3A_19] : memref<100000x8xf32, #tpu.memory_space<hbm>> -> memref<100000x8xf32, #tpu.memory_space<hbm>>
        tpu.enqueue_indirect_dma source(%dma_start3A_20 : memref<100000x8xf32, #tpu.memory_space<hbm>>) target(%arg9 : memref<1000x8xf32, #tpu.memory_space<vmem>>) offsets(%arg8 : memref<1000xi32, #tpu.memory_space<vmem>>) semaphore(%arg10 : memref<!tpu.dma_semaphore, #tpu.memory_space<semaphore_mem>>)
        %dma_wait3A_21 = arith.constant 0 : i32
        %dma_wait3A_22 = arith.constant 0 : i32
        %dma_wait3A_23 = tpu.memref_slice %arg5[%dma_wait3A_21, %dma_wait3A_22] : memref<100000x8xf32, #tpu.memory_space<hbm>> -> memref<100000x8xf32, #tpu.memory_space<hbm>>
        tpu.wait_indirect_dma semaphore(%arg10 : memref<!tpu.dma_semaphore, #tpu.memory_space<semaphore_mem>>) src(%dma_wait3A_23 : memref<100000x8xf32, #tpu.memory_space<hbm>>) dst(%arg9 : memref<1000x8xf32, #tpu.memory_space<vmem>>)
        "tpu.region"() ({
          %run_scoped3A = tpu.sem_alloc : memref<!tpu.dma_semaphore, #tpu.memory_space<semaphore_mem>>
          %dma_start3A_24 = arith.constant 0 : i32
          %dma_start3A_25 = tpu.memref_slice %arg7[%mul3A_13, %dma_start3A_24] : memref<100000x8xf32, #tpu.memory_space<hbm>> -> memref<1000x8xf32, #tpu.memory_space<hbm>>
          %dma_start3A_26 = arith.constant 0 : i32
          %dma_start3A_27 = tpu.memref_slice %arg7[%mul3A_13, %dma_start3A_26] : memref<100000x8xf32, #tpu.memory_space<hbm>> -> memref<1000x8xf32, #tpu.memory_space<hbm>>
          tpu.enqueue_dma source(%arg9 : memref<1000x8xf32, #tpu.memory_space<vmem>>) target(%dma_start3A_27 : memref<1000x8xf32, #tpu.memory_space<hbm>>) target_semaphore(%run_scoped3A : memref<!tpu.dma_semaphore, #tpu.memory_space<semaphore_mem>>)
          %dma_wait3A_28 = arith.constant 0 : i32
          %dma_wait3A_29 = tpu.memref_slice %arg7[%mul3A_13, %dma_wait3A_28] : memref<100000x8xf32, #tpu.memory_space<hbm>> -> memref<1000x8xf32, #tpu.memory_space<hbm>>
          %dma_wait3A_30 = arith.constant 0 : i32
          %dma_wait3A_31 = tpu.memref_slice %arg7[%mul3A_13, %dma_wait3A_30] : memref<100000x8xf32, #tpu.memory_space<hbm>> -> memref<1000x8xf32, #tpu.memory_space<hbm>>
          tpu.wait_dma2 semaphore(%run_scoped3A : memref<!tpu.dma_semaphore, #tpu.memory_space<semaphore_mem>>) src(%arg9 : memref<1000x8xf32, #tpu.memory_space<vmem>>) dst(%dma_wait3A_31 : memref<1000x8xf32, #tpu.memory_space<hbm>>)
          tpu.yield
        }) : () -> ()
      } else {
      }
    }
    %scan3A_5 = arith.constant 4 : i32
    return
  }
}

</mosaic_0001>

<sc_bundles>
// kernel: kernel.4.cloned.1.call-start
scs
__scs_entry_jumppad:
0x0: {  	(pc) =	sbr.rel $0x88, $3  }
0x1: {  	(tag) =	ssettag $0x0;
	lr =	simm.s32 $0x1  }
0x2: {  	[smem:$0x3F98] =	sst lr;
	_ =	strace $0xD0000000  }
0x3: {  	_ = 	snop  }
0x4: {  	_ = 	snop  }
0x5: {  	_ = 	snop  }
0x6: {  	_ = 	snop  }
0x7: {  	_ = 	snop  }
__scs_overlays_trampoline_lowered:
0x8: {  	[smem:$0x3FA7] =	sst s0  }
0x9: {  	[smem:$0x3FA8] =	sst s1  }
0xa: {  	[smem:$0x3FA9] =	sst s2  }
0xb: {  	[smem:$0x3FAA] =	sst s3  }
0xc: {  	[smem:$0x3FAB] =	sst s4  }
0xd: {  	[smem:$0x3FAC] =	sst s5  }
0xe: {  	[smem:$0x3FAD] =	sst s6  }
0xf: {  	[smem:$0x3FAE] =	sst s7  }
0x10: {  	[smem:$0x3FAF] =	sst s8  }
0x11: {  	[smem:$0x3FB0] =	sst s9;
	s0 =	simm.s32 @!p0 $0x0  }
0x12: {  	s1 =	sld [smem:$0x3F96];
	s0 =	simm.s32 @p0 $0x1  }
0x13: {  	[smem:$0x3FB1] =	sst s0;
	s0 =	simm.s32 @!p1 $0x0  }
0x14: {  	s2 =	sld [smem:$0x3F95];
	s0 =	simm.s32 @p1 $0x1  }
0x15: {  	[smem:$0x3FB2] =	sst s0;
	s0 =	simm.s32 @!p2 $0x0  }
0x16: {  	s3 =	sld [smem:$0x3FDB];
	s0 =	simm.s32 @p2 $0x1  }
0x17: {  	s4 =	simm.s32 $0x1BF5;
	[smem:$0x3FB4] =	sst s0  }
0x18: {  	s0 =	sld [smem:$0x3F97];
	_ =	swait.ge [sflag:s4], $0x0  }
0x19: {  	s7 =	sld [smem:$0x3F98]  }
0x1a: {  	s8 =	sadd.s32 $0xFFFFE003, lr  }
0x1b: {  	s9 =	sadd.s32 $0xFFFFFEF7, lr;
	s5 =	simm.s32 $0xFFFFFFFF;
	p2 =	slt.u32 s8, $0xFFFFF086  }
0x1c: {  	p1 =	slt.u32 s9, $0xF7A;
	s5 =	simm.s32 @!p2 $0x0  }
0x1d: {  	s5 =	simm.s32 @p1 $0x1;
	p0 =	seq.s32 s7, s2  }
0x1e: {  	s7 =	smul.u32 @!p0 $0xF7A, s2;
	p2 =	seq.s32 @!p0 s5, $0x0  }
0x1f: {  	s9 =	smul.u32 $0xF7A, s1;
	s8 =	simm.s32 @!p0 $0x1BF5;
	p2 =	por !p2, p0  }
0x20: {  	[sflag:s8] =	ssyncset.s32 @!p0 $0xFFFFF086;
	s6 =	sadd.s32 @!p0 s3, s7;
	s7 =	simm.s32 @!p0 $0x108  }
0x21: {  	s3 =	sadd.s32 s3, s9;
	s6 =	sadd.s32 @!p0 $0x88, s6;
	s7 =	simm.s32 @p2 $0x1082  }
0x22: {  	[simem:s7], [sflag:s8] =	dma.local @!p0 [hbm:s6], $0xF7A  }
0x23: {  	s9 =	sor.u32 $0xD0000000, s2;
	s6 =	simm.s32 $0x108;
	_ =	swait.ge @!p0 [sflag:s8], $0x0  }
0x24: {  	s3 =	sadd.s32 $0x88, s3;
	s6 =	simm.s32 @!p1 $0x1082;
	[sflag:s4] =	ssyncset.s32 $0xFFFFF086  }
0x25: {  	[simem:s6], [sflag:s4] =	dma.local [hbm:s3], $0xF7A  }
0x26: {  	[smem:$0x3F98] =	sst s1;
	(tag) =	ssettag s2;
	_ =	strace s9  }
0x27: {  	s1 =	sld [smem:$0x3FA8]  }
0x28: {  	s2 =	sld [smem:$0x3FA9]  }
0x29: {  	s4 =	sld [smem:$0x3FAB]  }
0x2a: {  	p0 =	seq.s32 s5, $0x0;
	s5 =	sld [smem:$0x3FAC]  }
0x2b: {  	s6 =	sld [smem:$0x3FAD]  }
0x2c: {  	s7 =	sld [smem:$0x3FAE]  }
0x2d: {  	s3 =	simm.s32 $0x108;
	s8 =	sld [smem:$0x3FAF]  }
0x2e: {  	s3 =	simm.s32 @!p0 $0x1082;
	s9 =	sld [smem:$0x3FB0]  }
0x2f: {  	lr =	sadd.s32 s0, s3;
	s0 =	sld [smem:$0x3FA7]  }
0x30: {  	s3 =	sld [smem:$0x3FAA]  }
0x31: {  	[smem:$0x3FB3] =	sst s10  }
0x32: {  	s10 =	sld [smem:$0x3FB1];
	_ =	sdelay $0x3  }
0x33: {  	p0 =	seq.s32 s10, $0x1;
	s10 =	sld [smem:$0x3FB3];
	_ =	sdelay $0x3  }
0x34: {  	[smem:$0x3FB3] =	sst s10  }
0x35: {  	s10 =	sld [smem:$0x3FB2];
	_ =	sdelay $0x3  }
0x36: {  	p1 =	seq.s32 s10, $0x1;
	s10 =	sld [smem:$0x3FB3];
	_ =	sdelay $0x3  }
0x37: {  	[smem:$0x3FB3] =	sst s10  }
0x38: {  	s10 =	sld [smem:$0x3FB4]  }
0x39: {  	_ = 	snop;
	(pc) =	sbr.ind lr, $3  }
0x3a: {  	_ = 	snop  }
0x3b: {  	_ = 	snop  }
0x3c: {  	p2 =	seq.s32 s10, $0x1;
	s10 =	sld [smem:$0x3FB3]  }
0x3d: {  	_ =	shalt  }
0x3e: {  	_ =	shalt  }
0x3f: {  	_ =	shalt  }
0x40: {  	_ =	shalt  }
0x41: {  	_ =	shalt  }
0x42: {  	_ =	shalt  }
0x43: {  	_ =	shalt  }
0x44: {  	_ =	shalt  }
0x45: {  	_ =	shalt  }
0x46: {  	_ =	shalt  }
0x47: {  	_ =	shalt  }
0x48: {  	_ =	shalt  }
0x49: {  	_ =	shalt  }
0x4a: {  	_ =	shalt  }
0x4b: {  	_ =	shalt  }
0x4c: {  	_ =	shalt  }
0x4d: {  	_ =	shalt  }
0x4e: {  	_ =	shalt  }
0x4f: {  	_ =	shalt  }
0x50: {  	_ =	shalt  }
0x51: {  	_ =	shalt  }
0x52: {  	_ =	shalt  }
0x53: {  	_ =	shalt  }
0x54: {  	_ =	shalt  }
0x55: {  	_ =	shalt  }
0x56: {  	_ =	shalt  }
0x57: {  	_ =	shalt  }
0x58: {  	_ =	shalt  }
0x59: {  	_ =	shalt  }
0x5a: {  	_ =	shalt  }
0x5b: {  	_ =	shalt  }
0x5c: {  	_ =	shalt  }
0x5d: {  	_ =	shalt  }
0x5e: {  	_ =	shalt  }
0x5f: {  	_ =	shalt  }
0x60: {  	_ =	shalt  }
0x61: {  	_ =	shalt  }
0x62: {  	_ =	shalt  }
0x63: {  	_ =	shalt  }
0x64: {  	_ =	shalt  }
0x65: {  	_ =	shalt  }
0x66: {  	_ =	shalt  }
0x67: {  	_ =	shalt  }
0x68: {  	_ =	shalt  }
0x69: {  	_ =	shalt  }
0x6a: {  	_ =	shalt  }
0x6b: {  	_ =	shalt  }
0x6c: {  	_ =	shalt  }
0x6d: {  	_ =	shalt  }
0x6e: {  	_ =	shalt  }
0x6f: {  	_ =	shalt  }
0x70: {  	_ =	shalt  }
0x71: {  	_ =	shalt  }
0x72: {  	_ =	shalt  }
0x73: {  	_ =	shalt  }
0x74: {  	_ =	shalt  }
0x75: {  	_ =	shalt  }
0x76: {  	_ =	shalt  }
0x77: {  	_ =	shalt  }
0x78: {  	_ =	shalt  }
0x79: {  	_ =	shalt  }
0x7a: {  	_ =	shalt  }
0x7b: {  	_ =	shalt  }
0x7c: {  	_ =	shalt  }
0x7d: {  	_ =	shalt  }
0x7e: {  	_ =	shalt  }
0x7f: {  	_ =	shalt  }
0x80: {  	_ =	shalt  }
0x81: {  	_ =	shalt  }
0x82: {  	_ =	shalt  }
0x83: {  	_ =	shalt  }
0x84: {  	_ =	shalt  }
0x85: {  	_ =	shalt  }
0x86: {  	_ =	shalt  }
0x87: {  	_ =	shalt  }
.Lfunc_end0:
.L_simem_size_0:
called_computation_lowered:
.L_overlay_start_0:
0x88: {  	s2 =	sld [smem:$0x3FD9]  }
0x89: {  	s3 =	sld [smem:$0x3FFE];
	_ =	sdelay $0x1  }
0x8a: {  	s1 =	srdreg.scid  }
0x8b: {  	s0 =	sand.u32 $0x1, s1  }
0x8c: {  	s14 =	sshll.u32 s0, $0xA;
	s2 =	sadd.s32 s3, s2  }
0x8d: {  	s2 =	sadd.s32 s2, s14  }
0x8e: {  	[smem:$0x3FBF] =	sst s2  }
0x8f: {  	_ = 	snop  }
0x90: {  	s2 =	sld [smem:$0x3FD0];
	_ =	sdelay $0x1  }
0x91: {  	s15 =	sld [smem:$0x3FC8]  }
0x92: {  	s5 =	simm.s32 $0xA;
	s6 =	simm.s32 $0x10;
	s4 =	sld [smem:$0x3FC7]  }
0x93: {  	[smem:s6], [sflag:s5] =	dma.local [hbm:s2], $0x1  }
0x94: {  	_ =	swait.eq [sflag:s5], $0x1  }
0x95: {  	[sflag:s5] =	ssyncset.done $0x0  }
0x96: {  	s16 =	sld [smem:$0x14];
	[sflag:s5] =	ssyncadd.s32 $0xFFFFFFFF  }
0x97: {  	s17 =	sld [smem:$0x15];
	(tm) =	ssettm $0x1  }
0x98: {  	s18 =	sld [smem:$0x3FFB];
	_ =	sdelay $0x3  }
0x99: {  	_ =	strace s18  }
0x9a: {  	s6 =	sld [smem:$0x3FFC];
	_ =	sdelay $0x3  }
0x9b: {  	_ =	strace s6  }
0x9c: {  	s6 =	sld [smem:$0x3FFD];
	_ =	sdelay $0x3  }
0x9d: {  	_ =	strace s6  }
0x9e: {  	_ =	strace $0x8FFFFFFF  }
0x9f: {  	s19 =	sld [smem:$0x3FDB];
	_ =	sdelay $0x1  }
0xa0: {  	s7 =	simm.s32 $_scs_section_size  }
0xa1: {  	s8 =	simm.s32 $_size__tile_overlayer_lowered;
	s9 =	simm.s32 $_tile_overlayer_lowered  }
0xa2: {  	s22 =	simm.s32 $0x1BFF;
	s21 =	sshll.u32 s9, $0x1;
	s6 =	sadd.s32 s7, s19  }
0xa3: {  	s10 =	simm.s32 $0x0;
	s20 =	sshll.u32 s8, $0x1;
	s8 =	sadd.s32 s21, s6  }
0xa4: {  	[timem:s10], [sflag:s22] =	dma.local [hbm:s8], s20  }
0xa5: {  	_ =	swait.ge [sflag:s22], s20  }
0xa6: {  	s7 =	ssub.s32 $0x0, s20;
	[sflag:s22] =	ssyncset.done $0x0  }
0xa7: {  	[sflag:s22] =	ssyncadd.s32 s7;
	_ =	sdelay $0x1  }
0xa8: {  	s23 =	simm.s32 $0x1B8B  }
0xa9: {  	_ =	swait.ge [sflag:s23], $0x1  }
0xaa: {  	[sflag:s23] =	ssyncset.done $0x0  }
0xab: {  	s25 =	simm.s32 $0x1B8E;
	s24 =	sld [smem:$0x3FFE];
	[sflag:s23] =	ssyncadd.s32 $0xFFFFFFFF  }
0xac: {  	s26 =	simm.s32 $execute0_lowered;
	[smem:$0x3FD2] =	sst s25  }
0xad: {  	s8 =	sshll.u32 s26, $0x1;
	_ =	strace $0x80000046;
	[dreg:$0x1] =	wrdreg $0xFFFFFFFF  }
0xae: {  	s28 =	simm.s32 $_size_execute0_lowered;
	s6 =	sadd.s32 s6, s8;
	[dreg:$0x0] =	wrdreg $0x0  }
0xaf: {  	s8 =	sshll.u32 s28, $0x1;
	[dreg:$0x2] =	wrdreg s6  }
0xb0: {  	[dreg:$0x3] =	wrdreg s8  }
0xb1: {  	[dreg:$0x4] =	wrdreg $0xC0  }
0xb2: {  	_ =	task [dreg:s10], $0x5FFFF  }
0xb3: {  	[dreg:$0x1] =	wrdreg $0xFFFFFFFF  }
0xb4: {  	[dreg:$0x0] =	wrdreg $0x60  }
0xb5: {  	[dreg:$0x2] =	wrdreg s15  }
0xb6: {  	[dreg:$0x3] =	wrdreg s4  }
0xb7: {  	[dreg:$0x4] =	wrdreg s17  }
0xb8: {  	[dreg:$0x5] =	wrdreg s16  }
0xb9: {  	[dreg:$0x6] =	wrdreg s24  }
0xba: {  	[dreg:$0x7] =	wrdreg $0x9  }
0xbb: {  	_ =	task.clear_ibuf [dreg:s10], $0x8FFFF;
	_ =	strace $0x90000046  }
0xbc: {  	s29 =	simm.s32 $0x9;
	_ =	strace $0x80000048  }
0xbd: {  	_ =	swait.ge [sflag:s29], $0x1  }
0xbe: {  	[sflag:s29] =	ssyncadd.s32 $0xFFFFFFFF  }
0xbf: {  	_ =	strace $0x90000048  }
0xc0: {  	_ =	sfence  }
0xc1: {  	s30 =	sld [smem:$0x0];
	_ =	sdelay $0x2  }
0xc2: {  	s31 =	sshll.u32 s1, $0xD;
	s1 =	sshrl.u32 s1, $0x2  }
0xc3: {  	s3 =	sand.u32 $0x4000, s31;
	s1 =	sadd.s32 s1, s30  }
0xc4: {  	s0 =	sor.u32 s3, s0;
	s1 =	sshll.u32 s1, $0x11  }
0xc5: {  	s0 =	sor.u32 s1, s0  }
0xc6: {  	s0 =	sadd.s32 $0x8F2B, s0  }
0xc7: {  	[sflag:s0] =	ssyncadd.remote.s32 $0x1  }
0xc8: {  	_ =	sfence.sel $0xFFFF  }
0xc9: {  	[dreg:$0x0] =	wrdreg $0xFFFFFFFF;
	(pc) =	sbr.abs _section_cstart, $3  }
0xca: {  	[dreg:$0x1] =	wrdreg $0xFFFFFFFF  }
0xcb: {  	_ =	task.clear_ibuf [dreg:s10], $0x2FFFF;
	_ =	strace $0x9FFFFFFF  }
0xcc: {  	(tm) =	ssettm $0x7FFFFFFF  }
0xcd: {  	_ =	shalt  }
tec
execute0_lowered:
.L_overlay_start_1:
0x0: {  	(tag) =	ssettag $0x1  }
0x1: {  	s8 =	rddreg [dreg:$0x0]  }
0x2: {  	s9 =	rddreg [dreg:$0x1]  }
0x3: {  	s1 =	rddreg [dreg:$0x2]  }
0x4: {  	s3 =	rddreg [dreg:$0x3]  }
0x5: {  	s5 =	rddreg [dreg:$0x4]  }
0x6: {  	s0 =	rddreg [dreg:$0x5];
	s2 =	stileid.u32  }
0x7: {  	s6 =	srdreg.scid;
	s7 =	smul.u32 $0x7D0, s2  }
0x8: {  	s4 =	simm.s32 $0x0;
	s10 =	sand.u32 $0x1, s6;
	s12 =	smul.u32 $0xFA, s2  }
0x9: {  	[smem:$0x7FF] =	sst s4;
	s11 =	smul.u32 $0x3E8, s10  }
0xa: {  	_ =	strace $0x80000047;
	s6 =	ssub.s32 $0x2, s10;
	s10 =	smul.u32 $0x7D, s10  }
0xb: {  	s7 =	sadd.s32 s7, s5;
	s31 =	sshrl.u32 s6, $0x1;
	s5 =	sshll.u32 s2, $0x1  }
0xc: {  	s13 =	sadd.s32 s12, s8;
	s12 =	sadd.s32 s12, s9;
	s6 =	ssub.s32 s6, s31  }
0xd: {  	s11 =	sadd.s32 s11, s7;
	s9 =	sadd.s32 s10, s13;
	s10 =	sadd.s32 s10, s12  }
0xe: {  	s6 =	smax.u32 s6, $0x1;
	s7 =	sadd.s32 $0x2C00, s11;
	s8 =	sadd.s32 $0x1B400, s11  }
.LBB2_1:
0xf: {  	p0 =	sgt.u32 s5, $0x63  }
0x10: {  	s12 =	simm.s32 @!p0 $0x0;
	s11 =	simm.s32 @!p0 $0x3;
	p0 =	por p0, p0  }
0x11: {  	[tilespmem:s12], [sflag:$0x3] =	stream.linear.gather @!p0 [hbm4b:s9+s12], $0x3E8, $0x38;
	[tilespmem:$0x2328] =	vst v63  }
0x12: {  	_ =	swait.ge @!p0 [sflag:s11], $0x3E8  }
0x13: {  	[sflag:s11] =	ssyncset.done @!p0 $0x0  }
0x14: {  	s14 =	simm.s32 @!p0 $0x3E8;
	s15 =	simm.s32 @!p0 $0x1;
	[sflag:s11] =	ssyncadd.s32 @!p0 $0xFFFFFC18  }
0x15: {  	[tilespmem:s14], [sflag:$0x1] =	stream.indirect.gather @!p0 [hbm4b:s1+s14], $0x8, s12, s14, $0xb8;
	[tilespmem:$0x2328] =	vst v63  }
0x16: {  	_ =	swait.ge @!p0 [sflag:s15], $0x1F40  }
0x17: {  	[sflag:s15] =	ssyncset.done @!p0 $0x0  }
0x18: {  	s13 =	sadd.s32 @!p0 $0x0, s7;
	[sflag:s15] =	ssyncadd.s32 @!p0 $0xFFFFE0C0  }
0x19: {  	[hbm4b:s13+s12] =	stream.linear.scatter @!p0 [tilespmem:s14], [sflag:$0x3], $0x1F40, $0x38;
	[tilespmem:$0x2328] =	vst v63  }
0x1a: {  	_ =	swait.ge @!p0 [sflag:s11], $0x1F40  }
0x1b: {  	[sflag:s11] =	ssyncset.done @!p0 $0x0  }
0x1c: {  	[sflag:s11] =	ssyncadd.s32 @!p0 $0xFFFFE0C0  }
0x1d: {  	[tilespmem:s12], [sflag:$0x3] =	stream.linear.gather @!p0 [hbm4b:s10+s12], $0x3E8, $0x38;
	[tilespmem:$0x2328] =	vst v63  }
0x1e: {  	_ =	swait.ge @!p0 [sflag:s11], $0x3E8  }
0x1f: {  	[sflag:s11] =	ssyncset.done @!p0 $0x0  }
0x20: {  	[sflag:s11] =	ssyncadd.s32 @!p0 $0xFFFFFC18  }
0x21: {  	[tilespmem:s14], [sflag:$0x1] =	stream.indirect.gather @!p0 [hbm4b:s3+s14], $0x8, s12, s14, $0xb8;
	[tilespmem:$0x2328] =	vst v63  }
0x22: {  	_ =	swait.ge @!p0 [sflag:s15], $0x1F40  }
0x23: {  	s16 =	simm.s32 @!p0 $0x2;
	s13 =	simm.s32 $0xFA00;
	[sflag:s15] =	ssyncset.done @!p0 $0x0  }
0x24: {  	s11 =	simm.s32 $0x7D00;
	[sflag:s15] =	ssyncadd.s32 @!p0 $0xFFFFE0C0;
	s15 =	sadd.s32 @!p0 $0x0, s8  }
0x25: {  	[hbm4b:s15+s12] =	stream.linear.scatter @!p0 [tilespmem:s14], [sflag:$0x2], $0x1F40, $0x38;
	[tilespmem:$0x2328] =	vst v63  }
0x26: {  	s12 =	sadd.s32 $0xFA0, s10;
	s15 =	sadd.s32 $0x20, s5;
	_ =	swait.ge @!p0 [sflag:s16], $0x1F40  }
0x27: {  	s14 =	sadd.s32 $0xFA0, s9;
	p2 =	sgt.u32 s15, $0x63;
	[sflag:s16] =	ssyncset.done @!p0 $0x0  }
.LBB2_2:
0x28: {  	s17 =	simm.s32 @!p2 $0x0;
	s18 =	simm.s32 @!p2 $0x3;
	[sflag:s16] =	ssyncadd.s32 @!p0 $0xFFFFE0C0  }
0x29: {  	s16 =	smov.u32 s11;
	s11 =	smov.u32 s13;
	p0 =	por p2, p2  }
0x2a: {  	[tilespmem:s17], [sflag:$0x3] =	stream.linear.gather @!p0 [hbm4b:s14+s17], $0x3E8, $0x38;
	[tilespmem:$0x2328] =	vst v63  }
0x2b: {  	s13 =	sadd.s32 $0x7D00, s13;
	_ =	swait.ge @!p0 [sflag:s18], $0x3E8  }
0x2c: {  	p1 =	sne.s32 s13, $0x1F400;
	[sflag:s18] =	ssyncset.done @!p0 $0x0  }
0x2d: {  	s19 =	simm.s32 @!p0 $0x3E8;
	s20 =	simm.s32 @!p0 $0x1;
	[sflag:s18] =	ssyncadd.s32 @!p0 $0xFFFFFC18  }
0x2e: {  	[tilespmem:s19], [sflag:$0x1] =	stream.indirect.gather @!p0 [hbm4b:s1+s19], $0x8, s17, s19, $0xb8;
	[tilespmem:$0x2328] =	vst v63  }
0x2f: {  	_ =	swait.ge @!p0 [sflag:s20], $0x1F40  }
0x30: {  	[sflag:s20] =	ssyncset.done @!p0 $0x0  }
0x31: {  	s21 =	sadd.s32 @!p0 s16, s7;
	[sflag:s20] =	ssyncadd.s32 @!p0 $0xFFFFE0C0  }
0x32: {  	[hbm4b:s21+s17] =	stream.linear.scatter @!p0 [tilespmem:s19], [sflag:$0x3], $0x1F40, $0x38;
	[tilespmem:$0x2328] =	vst v63  }
0x33: {  	_ =	swait.ge @!p0 [sflag:s18], $0x1F40  }
0x34: {  	[sflag:s18] =	ssyncset.done @!p0 $0x0  }
0x35: {  	[sflag:s18] =	ssyncadd.s32 @!p0 $0xFFFFE0C0  }
0x36: {  	[tilespmem:s17], [sflag:$0x3] =	stream.linear.gather @!p0 [hbm4b:s12+s17], $0x3E8, $0x38;
	[tilespmem:$0x2328] =	vst v63  }
0x37: {  	_ =	swait.ge @!p0 [sflag:s18], $0x3E8  }
0x38: {  	[sflag:s18] =	ssyncset.done @!p0 $0x0  }
0x39: {  	[sflag:s18] =	ssyncadd.s32 @!p0 $0xFFFFFC18  }
0x3a: {  	[tilespmem:s19], [sflag:$0x1] =	stream.indirect.gather @!p0 [hbm4b:s3+s19], $0x8, s17, s19, $0xb8;
	[tilespmem:$0x2328] =	vst v63  }
0x3b: {  	_ =	swait.ge @!p0 [sflag:s20], $0x1F40  }
.Ltmp0:
0x3c: {  	[sflag:s20] =	ssyncset.done @!p0 $0x0;
	(pc) =	sbr.rel @p1 .LBB2_2-.Ltmp0, $4  }
0x3d: {  	s18 =	sadd.s32 @!p0 s16, s8;
	s16 =	simm.s32 @!p0 $0x2;
	[sflag:s20] =	ssyncadd.s32 @!p0 $0xFFFFE0C0  }
0x3e: {  	[hbm4b:s18+s17] =	stream.linear.scatter @!p0 [tilespmem:s19], [sflag:$0x2], $0x1F40, $0x38;
	[tilespmem:$0x2328] =	vst v63  }
0x3f: {  	s15 =	sadd.s32 $0x20, s15;
	s12 =	sadd.s32 $0xFA0, s12;
	_ =	swait.ge @!p0 [sflag:s16], $0x1F40  }
0x40: {  	p2 =	sgt.u32 s15, $0x63;
	s14 =	sadd.s32 $0xFA0, s14;
	[sflag:s16] =	ssyncset.done @!p0 $0x0  }
0x41: {  	s13 =	simm.s32 @!p2 $0x0  }
0x42: {  	s15 =	simm.s32 @!p2 $0x3;
	[sflag:s16] =	ssyncadd.s32 @!p0 $0xFFFFE0C0;
	p0 =	por p2, p2  }
0x43: {  	[tilespmem:s13], [sflag:$0x3] =	stream.linear.gather @!p0 [hbm4b:s14+s13], $0x3E8, $0x38;
	[tilespmem:$0x2328] =	vst v63  }
0x44: {  	_ =	swait.ge @!p0 [sflag:s15], $0x3E8  }
0x45: {  	[sflag:s15] =	ssyncset.done @!p0 $0x0  }
0x46: {  	s14 =	simm.s32 @!p0 $0x3E8;
	s16 =	simm.s32 @!p0 $0x1;
	[sflag:s15] =	ssyncadd.s32 @!p0 $0xFFFFFC18  }
0x47: {  	[tilespmem:s14], [sflag:$0x1] =	stream.indirect.gather @!p0 [hbm4b:s1+s14], $0x8, s13, s14, $0xb8;
	[tilespmem:$0x2328] =	vst v63  }
0x48: {  	_ =	swait.ge @!p0 [sflag:s16], $0x1F40  }
0x49: {  	[sflag:s16] =	ssyncset.done @!p0 $0x0  }
0x4a: {  	s17 =	sadd.s32 @!p0 s11, s7;
	[sflag:s16] =	ssyncadd.s32 @!p0 $0xFFFFE0C0  }
0x4b: {  	[hbm4b:s17+s13] =	stream.linear.scatter @!p0 [tilespmem:s14], [sflag:$0x3], $0x1F40, $0x38;
	[tilespmem:$0x2328] =	vst v63  }
0x4c: {  	_ =	swait.ge @!p0 [sflag:s15], $0x1F40  }
0x4d: {  	[sflag:s15] =	ssyncset.done @!p0 $0x0  }
0x4e: {  	[sflag:s15] =	ssyncadd.s32 @!p0 $0xFFFFE0C0  }
0x4f: {  	[tilespmem:s13], [sflag:$0x3] =	stream.linear.gather @!p0 [hbm4b:s12+s13], $0x3E8, $0x38;
	[tilespmem:$0x2328] =	vst v63  }
0x50: {  	_ =	swait.ge @!p0 [sflag:s15], $0x3E8  }
0x51: {  	[sflag:s15] =	ssyncset.done @!p0 $0x0  }
0x52: {  	[sflag:s15] =	ssyncadd.s32 @!p0 $0xFFFFFC18  }
0x53: {  	[tilespmem:s14], [sflag:$0x1] =	stream.indirect.gather @!p0 [hbm4b:s3+s14], $0x8, s13, s14, $0xb8;
	[tilespmem:$0x2328] =	vst v63  }
0x54: {  	s4 =	sadd.s32 $0x1, s4;
	_ =	swait.ge @!p0 [sflag:s16], $0x1F40  }
0x55: {  	s11 =	sadd.s32 @!p0 s11, s8;
	p1 =	sne.s32 s4, s6;
	[sflag:s16] =	ssyncset.done @!p0 $0x0  }
.Ltmp1:
0x56: {  	s12 =	simm.s32 @!p0 $0x2;
	[sflag:s16] =	ssyncadd.s32 @!p0 $0xFFFFE0C0;
	(pc) =	sbr.rel @p1 .LBB2_1-.Ltmp1, $4  }
0x57: {  	[hbm4b:s11+s13] =	stream.linear.scatter @!p0 [tilespmem:s14], [sflag:$0x2], $0x1F40, $0x38;
	[tilespmem:$0x2328] =	vst v63  }
0x58: {  	_ =	swait.ge @!p0 [sflag:s12], $0x1F40  }
0x59: {  	[sflag:s12] =	ssyncset.done @!p0 $0x0  }
0x5a: {  	[sflag:s12] =	ssyncadd.s32 @!p0 $0xFFFFE0C0  }
0x5b: {  	_ =	sfence.sel $0x180000  }
0x5c: {  	[bflag:$0x0] =	sbarrier.arrive $0xFFFF  }
0x5d: {  	p0 =	sne.s32 s2, $0x0;
	_ =	strace $0x90000047  }
0x5e: {  	s0 =	sadd.s32 @!p0 $0x100000, s0;
	[bflag:$0x2] =	sbarrier.arrive $0xFFFF  }
0x5f: {  	[sflag:s0] =	ssyncadd.tile.s32 @!p0 $0x1;
	_ =	shalt  }
.Lfunc_end2:
_tile_overlayer_lowered:
.L_overlay_start_2:
0x60: {  	(tag) =	ssettag $0x2  }
0x61: {  	s0 =	rddreg [dreg:$0x0];
	s2 =	stileid.u32  }
0x62: {  	s1 =	rddreg [dreg:$0x1];
	p0 =	sne.s32 s2, $0x0  }
0x63: {  	s3 =	rddreg [dreg:$0x2];
	[bflag:$0x3] =	sbarrier.arrive $0xFFFF;
	s2 =	simm.s32 @!p0 $0x1C02  }
0x64: {  	[timem:s3], [sflag:s2] =	dma.local @!p0 [hbm:s0], s1  }
0x65: {  	s0 =	simm.s32 @!p0 $0x2  }
0x66: {  	_ =	swait.ge @!p0 [sflag:s0], s1  }
0x67: {  	s1 =	ssub.s32 @!p0 $0x0, s1;
	[sflag:s0] =	ssyncset.done @!p0 $0x0  }
0x68: {  	[sflag:s0] =	ssyncadd.s32 @!p0 s1  }
0x69: {  	[bflag:$0x3] =	sbarrier.arrive $0xFFFF  }
0x6a: {  	_ =	shalt  }

// kernel: kernel.7.cloned.1.call-start
scs
__scs_entry_jumppad:
0x0: {  	(pc) =	sbr.rel $0x88, $3  }
0x1: {  	(tag) =	ssettag $0x0;
	lr =	simm.s32 $0x1  }
0x2: {  	[smem:$0x3F98] =	sst lr;
	_ =	strace $0xD0000000  }
0x3: {  	_ = 	snop  }
0x4: {  	_ = 	snop  }
0x5: {  	_ = 	snop  }
0x6: {  	_ = 	snop  }
0x7: {  	_ = 	snop  }
__scs_overlays_trampoline_lowered:
0x8: {  	[smem:$0x3FA7] =	sst s0  }
0x9: {  	[smem:$0x3FA8] =	sst s1  }
0xa: {  	[smem:$0x3FA9] =	sst s2  }
0xb: {  	[smem:$0x3FAA] =	sst s3  }
0xc: {  	[smem:$0x3FAB] =	sst s4  }
0xd: {  	[smem:$0x3FAC] =	sst s5  }
0xe: {  	[smem:$0x3FAD] =	sst s6  }
0xf: {  	[smem:$0x3FAE] =	sst s7  }
0x10: {  	[smem:$0x3FAF] =	sst s8  }
0x11: {  	[smem:$0x3FB0] =	sst s9;
	s0 =	simm.s32 @!p0 $0x0  }
0x12: {  	s1 =	sld [smem:$0x3F96];
	s0 =	simm.s32 @p0 $0x1  }
0x13: {  	[smem:$0x3FB1] =	sst s0;
	s0 =	simm.s32 @!p1 $0x0  }
0x14: {  	s2 =	sld [smem:$0x3F95];
	s0 =	simm.s32 @p1 $0x1  }
0x15: {  	[smem:$0x3FB2] =	sst s0;
	s0 =	simm.s32 @!p2 $0x0  }
0x16: {  	s3 =	sld [smem:$0x3FDB];
	s0 =	simm.s32 @p2 $0x1  }
0x17: {  	s4 =	simm.s32 $0x1BF5;
	[smem:$0x3FB4] =	sst s0  }
0x18: {  	s0 =	sld [smem:$0x3F97];
	_ =	swait.ge [sflag:s4], $0x0  }
0x19: {  	s7 =	sld [smem:$0x3F98]  }
0x1a: {  	s8 =	sadd.s32 $0xFFFFE003, lr  }
0x1b: {  	s9 =	sadd.s32 $0xFFFFFEF7, lr;
	s5 =	simm.s32 $0xFFFFFFFF;
	p2 =	slt.u32 s8, $0xFFFFF086  }
0x1c: {  	p1 =	slt.u32 s9, $0xF7A;
	s5 =	simm.s32 @!p2 $0x0  }
0x1d: {  	s5 =	simm.s32 @p1 $0x1;
	p0 =	seq.s32 s7, s2  }
0x1e: {  	s7 =	smul.u32 @!p0 $0xF7A, s2;
	p2 =	seq.s32 @!p0 s5, $0x0  }
0x1f: {  	s9 =	smul.u32 $0xF7A, s1;
	s8 =	simm.s32 @!p0 $0x1BF5;
	p2 =	por !p2, p0  }
0x20: {  	[sflag:s8] =	ssyncset.s32 @!p0 $0xFFFFF086;
	s6 =	sadd.s32 @!p0 s3, s7;
	s7 =	simm.s32 @!p0 $0x108  }
0x21: {  	s3 =	sadd.s32 s3, s9;
	s6 =	sadd.s32 @!p0 $0x88, s6;
	s7 =	simm.s32 @p2 $0x1082  }
0x22: {  	[simem:s7], [sflag:s8] =	dma.local @!p0 [hbm:s6], $0xF7A  }
0x23: {  	s9 =	sor.u32 $0xD0000000, s2;
	s6 =	simm.s32 $0x108;
	_ =	swait.ge @!p0 [sflag:s8], $0x0  }
0x24: {  	s3 =	sadd.s32 $0x88, s3;
	s6 =	simm.s32 @!p1 $0x1082;
	[sflag:s4] =	ssyncset.s32 $0xFFFFF086  }
0x25: {  	[simem:s6], [sflag:s4] =	dma.local [hbm:s3], $0xF7A  }
0x26: {  	[smem:$0x3F98] =	sst s1;
	(tag) =	ssettag s2;
	_ =	strace s9  }
0x27: {  	s1 =	sld [smem:$0x3FA8]  }
0x28: {  	s2 =	sld [smem:$0x3FA9]  }
0x29: {  	s4 =	sld [smem:$0x3FAB]  }
0x2a: {  	p0 =	seq.s32 s5, $0x0;
	s5 =	sld [smem:$0x3FAC]  }
0x2b: {  	s6 =	sld [smem:$0x3FAD]  }
0x2c: {  	s7 =	sld [smem:$0x3FAE]  }
0x2d: {  	s3 =	simm.s32 $0x108;
	s8 =	sld [smem:$0x3FAF]  }
0x2e: {  	s3 =	simm.s32 @!p0 $0x1082;
	s9 =	sld [smem:$0x3FB0]  }
0x2f: {  	lr =	sadd.s32 s0, s3;
	s0 =	sld [smem:$0x3FA7]  }
0x30: {  	s3 =	sld [smem:$0x3FAA]  }
0x31: {  	[smem:$0x3FB3] =	sst s10  }
0x32: {  	s10 =	sld [smem:$0x3FB1];
	_ =	sdelay $0x3  }
0x33: {  	p0 =	seq.s32 s10, $0x1;
	s10 =	sld [smem:$0x3FB3];
	_ =	sdelay $0x3  }
0x34: {  	[smem:$0x3FB3] =	sst s10  }
0x35: {  	s10 =	sld [smem:$0x3FB2];
	_ =	sdelay $0x3  }
0x36: {  	p1 =	seq.s32 s10, $0x1;
	s10 =	sld [smem:$0x3FB3];
	_ =	sdelay $0x3  }
0x37: {  	[smem:$0x3FB3] =	sst s10  }
0x38: {  	s10 =	sld [smem:$0x3FB4]  }
0x39: {  	_ = 	snop;
	(pc) =	sbr.ind lr, $3  }
0x3a: {  	_ = 	snop  }
0x3b: {  	_ = 	snop  }
0x3c: {  	p2 =	seq.s32 s10, $0x1;
	s10 =	sld [smem:$0x3FB3]  }
0x3d: {  	_ =	shalt  }
0x3e: {  	_ =	shalt  }
0x3f: {  	_ =	shalt  }
0x40: {  	_ =	shalt  }
0x41: {  	_ =	shalt  }
0x42: {  	_ =	shalt  }
0x43: {  	_ =	shalt  }
0x44: {  	_ =	shalt  }
0x45: {  	_ =	shalt  }
0x46: {  	_ =	shalt  }
0x47: {  	_ =	shalt  }
0x48: {  	_ =	shalt  }
0x49: {  	_ =	shalt  }
0x4a: {  	_ =	shalt  }
0x4b: {  	_ =	shalt  }
0x4c: {  	_ =	shalt  }
0x4d: {  	_ =	shalt  }
0x4e: {  	_ =	shalt  }
0x4f: {  	_ =	shalt  }
0x50: {  	_ =	shalt  }
0x51: {  	_ =	shalt  }
0x52: {  	_ =	shalt  }
0x53: {  	_ =	shalt  }
0x54: {  	_ =	shalt  }
0x55: {  	_ =	shalt  }
0x56: {  	_ =	shalt  }
0x57: {  	_ =	shalt  }
0x58: {  	_ =	shalt  }
0x59: {  	_ =	shalt  }
0x5a: {  	_ =	shalt  }
0x5b: {  	_ =	shalt  }
0x5c: {  	_ =	shalt  }
0x5d: {  	_ =	shalt  }
0x5e: {  	_ =	shalt  }
0x5f: {  	_ =	shalt  }
0x60: {  	_ =	shalt  }
0x61: {  	_ =	shalt  }
0x62: {  	_ =	shalt  }
0x63: {  	_ =	shalt  }
0x64: {  	_ =	shalt  }
0x65: {  	_ =	shalt  }
0x66: {  	_ =	shalt  }
0x67: {  	_ =	shalt  }
0x68: {  	_ =	shalt  }
0x69: {  	_ =	shalt  }
0x6a: {  	_ =	shalt  }
0x6b: {  	_ =	shalt  }
0x6c: {  	_ =	shalt  }
0x6d: {  	_ =	shalt  }
0x6e: {  	_ =	shalt  }
0x6f: {  	_ =	shalt  }
0x70: {  	_ =	shalt  }
0x71: {  	_ =	shalt  }
0x72: {  	_ =	shalt  }
0x73: {  	_ =	shalt  }
0x74: {  	_ =	shalt  }
0x75: {  	_ =	shalt  }
0x76: {  	_ =	shalt  }
0x77: {  	_ =	shalt  }
0x78: {  	_ =	shalt  }
0x79: {  	_ =	shalt  }
0x7a: {  	_ =	shalt  }
0x7b: {  	_ =	shalt  }
0x7c: {  	_ =	shalt  }
0x7d: {  	_ =	shalt  }
0x7e: {  	_ =	shalt  }
0x7f: {  	_ =	shalt  }
0x80: {  	_ =	shalt  }
0x81: {  	_ =	shalt  }
0x82: {  	_ =	shalt  }
0x83: {  	_ =	shalt  }
0x84: {  	_ =	shalt  }
0x85: {  	_ =	shalt  }
0x86: {  	_ =	shalt  }
0x87: {  	_ =	shalt  }
.Lfunc_end0:
.L_simem_size_0:
called_computation.1_lowered:
.L_overlay_start_0:
0x88: {  	s2 =	sld [smem:$0x3FD9]  }
0x89: {  	s3 =	sld [smem:$0x3FFE];
	_ =	sdelay $0x1  }
0x8a: {  	s1 =	srdreg.scid  }
0x8b: {  	s0 =	sand.u32 $0x1, s1  }
0x8c: {  	s14 =	sshll.u32 s0, $0xA;
	s2 =	sadd.s32 s3, s2  }
0x8d: {  	s2 =	sadd.s32 s2, s14  }
0x8e: {  	[smem:$0x3FBF] =	sst s2  }
0x8f: {  	_ = 	snop  }
0x90: {  	s2 =	sld [smem:$0x3FD0];
	_ =	sdelay $0x2  }
0x91: {  	s15 =	simm.s32 $0xA;
	s4 =	simm.s32 $0x10  }
0x92: {  	[smem:s4], [sflag:s15] =	dma.local [hbm:s2], $0x1  }
0x93: {  	_ =	swait.eq [sflag:s15], $0x1  }
0x94: {  	s16 =	sld [smem:$0x10]  }
0x95: {  	s17 =	sld [smem:$0x11]  }
0x96: {  	s5 =	sld [smem:$0x12]  }
0x97: {  	s6 =	sld [smem:$0x13];
	[sflag:s15] =	ssyncset.done $0x0  }
0x98: {  	s7 =	sld [smem:$0x14];
	[sflag:s15] =	ssyncadd.s32 $0xFFFFFFFF  }
0x99: {  	s18 =	sld [smem:$0x15];
	(tm) =	ssettm $0x1  }
0x9a: {  	s8 =	sld [smem:$0x3FFB];
	_ =	sdelay $0x3  }
0x9b: {  	_ =	strace s8  }
0x9c: {  	s8 =	sld [smem:$0x3FFC];
	_ =	sdelay $0x3  }
0x9d: {  	_ =	strace s8  }
0x9e: {  	s8 =	sld [smem:$0x3FFD];
	_ =	sdelay $0x3  }
0x9f: {  	_ =	strace s8  }
0xa0: {  	_ =	strace $0x8FFFFFFF  }
0xa1: {  	s19 =	sld [smem:$0x3FDB];
	_ =	sdelay $0x1  }
0xa2: {  	s9 =	simm.s32 $_scs_section_size  }
0xa3: {  	s10 =	simm.s32 $_size__tile_overlayer_lowered;
	s11 =	simm.s32 $_tile_overlayer_lowered  }
0xa4: {  	s22 =	simm.s32 $0x1BFF;
	s21 =	sshll.u32 s11, $0x1;
	s8 =	sadd.s32 s9, s19  }
0xa5: {  	s12 =	simm.s32 $0x0;
	s20 =	sshll.u32 s10, $0x1;
	s10 =	sadd.s32 s21, s8  }
0xa6: {  	[timem:s12], [sflag:s22] =	dma.local [hbm:s10], s20  }
0xa7: {  	_ =	swait.ge [sflag:s22], s20  }
0xa8: {  	s9 =	ssub.s32 $0x0, s20;
	[sflag:s22] =	ssyncset.done $0x0  }
0xa9: {  	[sflag:s22] =	ssyncadd.s32 s9;
	_ =	sdelay $0x1  }
0xaa: {  	s23 =	simm.s32 $0x1B8B  }
0xab: {  	_ =	swait.ge [sflag:s23], $0x1  }
0xac: {  	[sflag:s23] =	ssyncset.done $0x0  }
0xad: {  	s25 =	simm.s32 $0x1B8E;
	s24 =	sld [smem:$0x3FFE];
	[sflag:s23] =	ssyncadd.s32 $0xFFFFFFFF  }
0xae: {  	s26 =	simm.s32 $execute0_lowered;
	[smem:$0x3FD2] =	sst s25  }
0xaf: {  	s10 =	sshll.u32 s26, $0x1;
	_ =	strace $0x80000049;
	[dreg:$0x1] =	wrdreg $0xFFFFFFFF  }
0xb0: {  	s28 =	simm.s32 $_size_execute0_lowered;
	s8 =	sadd.s32 s8, s10;
	[dreg:$0x0] =	wrdreg $0x0  }
0xb1: {  	s10 =	sshll.u32 s28, $0x1;
	[dreg:$0x2] =	wrdreg s8  }
0xb2: {  	[dreg:$0x3] =	wrdreg s10  }
0xb3: {  	[dreg:$0x4] =	wrdreg $0xC0  }
0xb4: {  	_ =	task [dreg:s12], $0x5FFFF  }
0xb5: {  	[dreg:$0x1] =	wrdreg $0xFFFFFFFF  }
0xb6: {  	[dreg:$0x0] =	wrdreg $0x60  }
0xb7: {  	[dreg:$0x2] =	wrdreg s24  }
0xb8: {  	[dreg:$0x3] =	wrdreg s16  }
0xb9: {  	[dreg:$0x4] =	wrdreg s17  }
0xba: {  	[dreg:$0x5] =	wrdreg s5  }
0xbb: {  	[dreg:$0x6] =	wrdreg s6  }
0xbc: {  	[dreg:$0x7] =	wrdreg s7  }
0xbd: {  	[dreg:$0x8] =	wrdreg s18  }
0xbe: {  	[dreg:$0x9] =	wrdreg $0x9  }
0xbf: {  	_ =	task.clear_ibuf [dreg:s12], $0xAFFFF;
	_ =	strace $0x90000049  }
0xc0: {  	s29 =	simm.s32 $0x9;
	_ =	strace $0x8000004B  }
0xc1: {  	_ =	swait.ge [sflag:s29], $0x1  }
0xc2: {  	[sflag:s29] =	ssyncadd.s32 $0xFFFFFFFF  }
0xc3: {  	_ =	strace $0x9000004B  }
0xc4: {  	_ =	sfence  }
0xc5: {  	s30 =	sld [smem:$0x0];
	_ =	sdelay $0x2  }
0xc6: {  	s31 =	sshll.u32 s1, $0xD;
	s1 =	sshrl.u32 s1, $0x2  }
0xc7: {  	s3 =	sand.u32 $0x4000, s31;
	s1 =	sadd.s32 s1, s30  }
0xc8: {  	s0 =	sor.u32 s3, s0;
	s1 =	sshll.u32 s1, $0x11  }
0xc9: {  	s0 =	sor.u32 s1, s0  }
0xca: {  	s0 =	sadd.s32 $0x8F2B, s0  }
0xcb: {  	[sflag:s0] =	ssyncadd.remote.s32 $0x1  }
0xcc: {  	_ =	sfence.sel $0xFFFF  }
0xcd: {  	[dreg:$0x0] =	wrdreg $0xFFFFFFFF;
	(pc) =	sbr.abs _section_cstart, $3  }
0xce: {  	[dreg:$0x1] =	wrdreg $0xFFFFFFFF  }
0xcf: {  	_ =	task.clear_ibuf [dreg:s12], $0x2FFFF;
	_ =	strace $0x9FFFFFFF  }
0xd0: {  	(tm) =	ssettm $0x7FFFFFFF  }
0xd1: {  	_ =	shalt  }
tec
execute0_lowered:
.L_overlay_start_1:
0x0: {  	(tag) =	ssettag $0x1  }
0x1: {  	s0 =	rddreg [dreg:$0x0]  }
0x2: {  	s3 =	rddreg [dreg:$0x3]  }
0x3: {  	s4 =	rddreg [dreg:$0x4]  }
0x4: {  	s6 =	rddreg [dreg:$0x5]  }
0x5: {  	s7 =	rddreg [dreg:$0x6]  }
0x6: {  	s1 =	srdreg.scid;
	s2 =	stileid.u32  }
0x7: {  	s8 =	simm.s32 $0x0;
	s28 =	simm.s32 $0x1;
	s29 =	simm.s32 $0x4  }
0x8: {  	s30 =	simm.s32 $0x9C40;
	s31 =	simm.s32 $0xDAC0;
	s14 =	simm.s32 $0x2  }
0x9: {  	s20 =	simm.s32 $0x5;
	s1 =	sand.u32 $0x1, s1;
	s2 =	sshll.u32 s2, $0x1  }
0xa: {  	[smem:$0x7FF] =	sst s8;
	s2 =	sor.u32 s1, s2;
	s21 =	ssub.s32 $0x2, s1  }
0xb: {  	s10 =	sadd.s32 $0x33C00, s0;
	s9 =	smul.u32 $0x186A0, s2;
	s23 =	sshrl.u32 s21, $0x1  }
0xc: {  	s11 =	sadd.s32 $0x2C00, s0;
	s12 =	sadd.s32 $0x1B400, s0;
	s0 =	ssub.s32 s21, s23  }
0xd: {  	_ =	strace $0x8000004A;
	s22 =	sshrl.u32 s9, $0x3;
	s0 =	smax.u32 s0, $0x1  }
0xe: {  	s13 =	sadd.s32 $0x7D0, s9;
	s5 =	sadd.s32 s10, s22;
	[dreg:$0xc] =	wrdreg s0  }
0xf: {  	s24 =	sshrl.u32 s13, $0x3;
	s25 =	sadd.s32 $0x61A80, s5;
	[dreg:$0x8] =	wrdreg s5  }
0x10: {  	s21 =	simm.s32 $0x7D0;
	s1 =	sadd.s32 s10, s24;
	[dreg:$0x9] =	wrdreg s25  }
0x11: {  	s18 =	sadd.s32 $0xFA0, s9;
	s26 =	sadd.s32 $0x61B7A, s5;
	[dreg:$0xa] =	wrdreg s1  }
0x12: {  	v0 =	vlaneseq.u32;
	s19 =	sadd.s32 $0x1770, s9;
	s24 =	simm.s32 $0x6;
	[dreg:$0xb] =	wrdreg s26  }
0x13: {  	v0 =	vmul.u32 $0x8, v0;
	s25 =	simm.s32 $0x1F40;
	s26 =	simm.s32 $0x5DC0;
	s1 =	simm.s32 $0x0  }
.LBB2_1:
0x14: {  	[dreg:$0xd] =	wrdreg s1  }
0x15: {  	s0 =	rddreg [dreg:$0x8]  }
0x16: {  	[tilespmem:s8], [sflag:$0x3] =	stream.linear.gather [hbm4b:s0+s8], $0x7D0, $0x38;
	[tilespmem:$0x17700] =	vst v63  }
0x17: {  	s5 =	rddreg [dreg:$0x9]  }
0x18: {  	[tilespmem:s21], [sflag:$0x3] =	stream.linear.gather [hbm4b:s5+s8], $0x7D0, $0x38;
	[tilespmem:$0x17700] =	vst v63  }
0x19: {  	s15 =	rddreg [dreg:$0xa];
	s16 =	simm.s32 $0xFA0  }
0x1a: {  	[tilespmem:s16], [sflag:$0x4] =	stream.linear.gather [hbm4b:s15+s8], $0x7D0, $0x38;
	[tilespmem:$0x17700] =	vst v63  }
0x1b: {  	s17 =	rddreg [dreg:$0xb];
	s22 =	simm.s32 $0x1770;
	s23 =	simm.s32 $0x3  }
0x1c: {  	[tilespmem:s22], [sflag:$0x4] =	stream.linear.gather [hbm4b:s17+s8], $0x7D0, $0x38;
	[tilespmem:$0x17700] =	vst v63  }
0x1d: {  	_ =	swait.ge [sflag:s23], $0x7D0  }
0x1e: {  	[sflag:s23] =	ssyncset.done $0x0  }
0x1f: {  	[sflag:s23] =	ssyncadd.s32 $0xFFFFF830  }
0x20: {  	_ =	swait.ge [sflag:s23], $0x7D0  }
0x21: {  	[sflag:s23] =	ssyncset.done $0x0  }
0x22: {  	[sflag:s23] =	ssyncadd.s32 $0xFFFFF830  }
0x23: {  	[tilespmem:s25], [sflag:$0x1] =	stream.indirect.gather [hbm4b:s11+s21], $0x8, s8, s21, $0xb8;
	[tilespmem:$0x17700] =	vst v63  }
0x24: {  	s22 =	simm.s32 $0x0  }
0x25: {  	[tilespmem:s26], [sflag:$0x1] =	stream.indirect.gather [hbm4b:s12+s21], $0x8, s21, s21, $0xb8;
	[tilespmem:$0x17700] =	vst v63  }
.LBB2_2:
0x26: {  	_ =	swait.ge [sflag:s28], $0x3E80  }
0x27: {  	[sflag:s28] =	ssyncset.done $0x0  }
0x28: {  	[sflag:s28] =	ssyncadd.s32 $0xFFFFC180  }
0x29: {  	_ =	swait.ge [sflag:s28], $0x3E80  }
0x2a: {  	[sflag:s28] =	ssyncset.done $0x0  }
0x2b: {  	[sflag:s28] =	ssyncadd.s32 $0xFFFFC180  }
0x2c: {  	_ =	swait.ge [sflag:s29], $0x7D0  }
0x2d: {  	[sflag:s29] =	ssyncset.done $0x0  }
0x2e: {  	[sflag:s29] =	ssyncadd.s32 $0xFFFFF830  }
0x2f: {  	_ =	swait.ge [sflag:s29], $0x7D0  }
0x30: {  	[sflag:s29] =	ssyncset.done $0x0  }
0x31: {  	s0 =	simm.s32 $0xFA0;
	p0 =	seq.s32 s22, $0x18;
	[sflag:s29] =	ssyncadd.s32 $0xFFFFF830  }
0x32: {  	[tilespmem:s30], [sflag:$0x2] =	stream.indirect.gather [hbm4b:s11+s21], $0x8, s0, s21, $0xb8;
	[tilespmem:$0x17700] =	vst v63  }
0x33: {  	s1 =	simm.s32 $0x1770;
	p1 =	seq.s32 @!p0 s22, $0x0;
	s0 =	smul.u32 @!p0 $0xFA0, s22  }
0x34: {  	[tilespmem:s31], [sflag:$0x2] =	stream.indirect.gather [hbm4b:s12+s21], $0x8, s1, s21, $0xb8;
	[tilespmem:$0x17700] =	vst v63  }
0x35: {  	p1 =	por p0, !p1;
	s0 =	sadd.s32 @!p0 s0, s18  }
.Ltmp0:
0x36: {  	s0 =	sshrl.u32 @!p0 s0, $0x3;
	(pc) =	sbr.rel @!p1 .LBB2_3-.Ltmp0, $4  }
0x37: {  	s1 =	simm.s32 @!p0 $0x0;
	s0 =	sadd.s32 @!p0 s10, s0  }
0x38: {  	[tilespmem:s1], [sflag:$0x3] =	stream.linear.gather @!p0 [hbm4b:s0+s1], $0x7D0, $0x38;
	[tilespmem:$0x17700] =	vst v63  }
0x39: {  	s2 =	simm.s32 @!p0 $0x7D0;
	s0 =	sadd.s32 @!p0 $0x61A80, s0  }
0x3a: {  	[tilespmem:s2], [sflag:$0x3] =	stream.linear.gather @!p0 [hbm4b:s0+s1], $0x7D0, $0x38;
	[tilespmem:$0x17700] =	vst v63  }
0x3b: {  	_ =	swait.ge [sflag:s20], $0x7D0  }
0x3c: {  	[sflag:s20] =	ssyncset.done $0x0  }
0x3d: {  	[sflag:s20] =	ssyncadd.s32 $0xFFFFF830  }
0x3e: {  	_ =	swait.ge [sflag:s20], $0x7D0  }
0x3f: {  	[sflag:s20] =	ssyncset.done $0x0  }
0x40: {  	[sflag:s20] =	ssyncadd.s32 $0xFFFFF830  }
0x41: {  	_ =	swait.ge [sflag:s20], $0x7D0  }
0x42: {  	[sflag:s20] =	ssyncset.done $0x0  }
0x43: {  	[sflag:s20] =	ssyncadd.s32 $0xFFFFF830  }
0x44: {  	_ =	swait.ge [sflag:s20], $0x7D0  }
0x45: {  	[sflag:s20] =	ssyncset.done $0x0  }
0x46: {  	[sflag:s20] =	ssyncadd.s32 $0xFFFFF830  }
0x47: {  	_ =	swait.ge [sflag:s20], $0x7D0  }
.Ltmp1:
0x48: {  	[sflag:s20] =	ssyncset.done $0x0;
	(pc) =	sbr.rel .LBB2_5-.Ltmp1, $4  }
0x49: {  	[sflag:s20] =	ssyncadd.s32 $0xFFFFF830  }
0x4a: {  	_ =	swait.ge [sflag:s20], $0x7D0  }
0x4b: {  	[sflag:s20] =	ssyncset.done $0x0  }
0x4c: {  	p1 =	por $0x0, $0x0;
	[sflag:s20] =	ssyncadd.s32 $0xFFFFF830  }
.LBB2_3:
0x4d: {  	p1 =	por @!p0 $0x1, $0x1  }
.LBB2_5:
0x4e: {  	s0 =	simm.s32 $0x0  }
0x4f: {  	v1 =	vmov s0  }
0x50: {  	v1 =	vshll.u32 v1, $0x3  }
0x51: {  	v1 =	vor.u32 v0, v1;
	_ =	sdelay $0x4  }
0x52: {  	v2 =	vld.idx.msk [tilespmem:v1+s25+$0x0], $0xffff  }
0x53: {  	v3 =	vor.u32 $0x1, v1;
	_ =	sdelay $0x2  }
0x54: {  	s5 =	simm.s32 $0x11940  }
0x55: {  	[tilespmem:s5+$0x0] =	vst v2  }
0x56: {  	v2 =	vld.idx.msk [tilespmem:v3+s25+$0x0], $0xffff  }
0x57: {  	v4 =	vor.u32 $0x2, v1;
	_ =	sdelay $0x2  }
0x58: {  	s15 =	simm.s32 $0x12110  }
0x59: {  	[tilespmem:s15+$0x0] =	vst v2  }
0x5a: {  	v2 =	vld.idx.msk [tilespmem:v4+s25+$0x0], $0xffff;
	_ =	sdelay $0x3  }
0x5b: {  	s16 =	simm.s32 $0x128E0  }
0x5c: {  	[tilespmem:s16+$0x0] =	vst v2  }
0x5d: {  	v1 =	vld.idx.msk [tilespmem:v1+s26+$0x0], $0xffff;
	_ =	sdelay $0x3  }
0x5e: {  	s17 =	simm.s32 $0x130B0  }
0x5f: {  	[tilespmem:s17+$0x0] =	vst v1  }
0x60: {  	v1 =	vld.idx.msk [tilespmem:v3+s26+$0x0], $0xffff;
	_ =	sdelay $0x3  }
0x61: {  	s23 =	simm.s32 $0x13880;
	s1 =	simm.s32 $0x10  }
0x62: {  	[tilespmem:s23+$0x0] =	vst v1;
	v1 =	vmov s1  }
0x63: {  	v2 =	vld.idx.msk [tilespmem:v4+s26+$0x0], $0xffff;
	v1 =	vshll.u32 v1, $0x3  }
0x64: {  	v1 =	vor.u32 v0, v1;
	_ =	sdelay $0x2  }
0x65: {  	s0 =	simm.s32 $0x14050  }
0x66: {  	[tilespmem:s0+$0x0] =	vst v2  }
0x67: {  	v2 =	vld.idx.msk [tilespmem:v1+s25+$0x0], $0xffff  }
0x68: {  	v3 =	vor.u32 $0x1, v1;
	_ =	sdelay $0x2  }
0x69: {  	s23 =	simm.s32 $0x11950  }
0x6a: {  	[tilespmem:s23+$0x0] =	vst v2  }
0x6b: {  	v2 =	vld.idx.msk [tilespmem:v3+s25+$0x0], $0xffff  }
0x6c: {  	v63 =	vor.u32 $0x2, v1;
	_ =	sdelay $0x2  }
0x6d: {  	s5 =	simm.s32 $0x12120  }
0x6e: {  	[tilespmem:s5+$0x0] =	vst v2  }
0x6f: {  	v2 =	vld.idx.msk [tilespmem:v63+s25+$0x0], $0xffff;
	_ =	sdelay $0x3  }
0x70: {  	s15 =	simm.s32 $0x128F0  }
0x71: {  	[tilespmem:s15+$0x0] =	vst v2  }
0x72: {  	v1 =	vld.idx.msk [tilespmem:v1+s26+$0x0], $0xffff;
	_ =	sdelay $0x3  }
0x73: {  	s16 =	simm.s32 $0x130C0  }
0x74: {  	[tilespmem:s16+$0x0] =	vst v1  }
0x75: {  	v1 =	vld.idx.msk [tilespmem:v3+s26+$0x0], $0xffff;
	_ =	sdelay $0x3  }
0x76: {  	s17 =	simm.s32 $0x13890  }
0x77: {  	s2 =	simm.s32 $0x20;
	[tilespmem:s17+$0x0] =	vst v1  }
0x78: {  	s1 =	simm.s32 $0x30;
	v2 =	vmov s2;
	v1 =	vld.idx.msk [tilespmem:v63+s26+$0x0], $0xffff  }
.LBB2_6:
0x79: {  	p2 =	sne.s32 s1, $0x7C0;
	v2 =	vshll.u32 v2, $0x3  }
0x7a: {  	v2 =	vor.u32 v0, v2;
	_ =	sdelay $0x2  }
0x7b: {  	s0 =	sadd.s32 $0x10, s0  }
0x7c: {  	[tilespmem:s0+$0x0] =	vst v1  }
0x7d: {  	v1 =	vld.idx.msk [tilespmem:v2+s25+$0x0], $0xffff;
	_ =	sdelay $0x1  }
0x7e: {  	v3 =	vor.u32 $0x1, v2;
	_ =	sdelay $0x2  }
0x7f: {  	s23 =	sadd.s32 $0x10, s23  }
0x80: {  	[tilespmem:s23+$0x0] =	vst v1  }
0x81: {  	v1 =	vld.idx.msk [tilespmem:v3+s25+$0x0], $0xffff;
	_ =	sdelay $0x1  }
0x82: {  	v4 =	vor.u32 $0x2, v2;
	_ =	sdelay $0x2  }
0x83: {  	s5 =	sadd.s32 $0x10, s5  }
0x84: {  	[tilespmem:s5+$0x0] =	vst v1  }
0x85: {  	v1 =	vld.idx.msk [tilespmem:v4+s25+$0x0], $0xffff;
	_ =	sdelay $0x4  }
0x86: {  	s15 =	sadd.s32 $0x10, s15  }
0x87: {  	[tilespmem:s15+$0x0] =	vst v1  }
0x88: {  	v1 =	vld.idx.msk [tilespmem:v2+s26+$0x0], $0xffff;
	_ =	sdelay $0x4  }
0x89: {  	s16 =	sadd.s32 $0x10, s16  }
0x8a: {  	[tilespmem:s16+$0x0] =	vst v1  }
0x8b: {  	v1 =	vld.idx.msk [tilespmem:v3+s26+$0x0], $0xffff;
	_ =	sdelay $0x2  }
.Ltmp2:
0x8c: {  	(pc) =	sbr.rel @p2 .LBB2_6-.Ltmp2, $4  }
0x8d: {  	_ = 	snop  }
0x8e: {  	s17 =	sadd.s32 $0x10, s17  }
0x8f: {  	[tilespmem:s17+$0x0] =	vst v1  }
0x90: {  	v2 =	vmov s1;
	s1 =	sadd.s32 $0x10, s1;
	v1 =	vld.idx.msk [tilespmem:v4+s26+$0x0], $0xffff  }
0x91: {  	v2 =	vshll.u32 v2, $0x3  }
0x92: {  	v2 =	vor.u32 v0, v2;
	_ =	sdelay $0x2  }
0x93: {  	s1 =	sadd.s32 $0x10, s0  }
0x94: {  	[tilespmem:s1+$0x0] =	vst v1  }
0x95: {  	v1 =	vld.idx.msk [tilespmem:v2+s25+$0x0], $0xffff  }
0x96: {  	v3 =	vor.u32 $0x1, v2;
	_ =	sdelay $0x2  }
0x97: {  	s2 =	sadd.s32 $0x10, s23  }
0x98: {  	[tilespmem:s2+$0x0] =	vst v1  }
0x99: {  	v1 =	vld.idx.msk [tilespmem:v3+s25+$0x0], $0xffff  }
0x9a: {  	v4 =	vor.u32 $0x2, v2;
	_ =	sdelay $0x2  }
0x9b: {  	s5 =	sadd.s32 $0x10, s5  }
0x9c: {  	[tilespmem:s5+$0x0] =	vst v1  }
0x9d: {  	v1 =	vld.idx.msk [tilespmem:v4+s25+$0x0], $0xffff;
	_ =	sdelay $0x3  }
0x9e: {  	s23 =	sadd.s32 $0x10, s15  }
0x9f: {  	[tilespmem:s23+$0x0] =	vst v1  }
0xa0: {  	v1 =	vld.idx.msk [tilespmem:v2+s26+$0x0], $0xffff;
	_ =	sdelay $0x3  }
0xa1: {  	s2 =	sadd.s32 $0x10, s16  }
0xa2: {  	[tilespmem:s2+$0x0] =	vst v1  }
0xa3: {  	v1 =	vld.idx.msk [tilespmem:v3+s26+$0x0], $0xffff;
	_ =	sdelay $0x3  }
0xa4: {  	s5 =	sadd.s32 $0x10, s17  }
0xa5: {  	[tilespmem:s5+$0x0] =	vst v1  }
0xa6: {  	v1 =	vld.idx.msk [tilespmem:v4+s26+$0x0], $0xffff  }
0xa7: {  	s0 =	smul.u32 $0xFA0, s22;
	_ =	sdelay $0x1  }
0xa8: {  	s2 =	sadd.s32 s9, s0  }
0xa9: {  	s15 =	rddreg [dreg:$0x1];
	s1 =	sadd.s32 $0x10, s1;
	s2 =	sshrl.u32 s2, $0x3  }
0xaa: {  	s16 =	simm.s32 $0x11940;
	s17 =	rddreg [dreg:$0x2];
	[tilespmem:s1+$0x0] =	vst v1;
	s1 =	sadd.s32 s15, s2  }
0xab: {  	[hbm4b:s1+s8] =	stream.linear.scatter [tilespmem:s16], [sflag:$0x5], $0x7D0, $0x38;
	[tilespmem:$0x17700] =	vst v63  }
0xac: {  	s23 =	simm.s32 $0x12110;
	s1 =	sadd.s32 s17, s2  }
0xad: {  	[hbm4b:s1+s8] =	stream.linear.scatter [tilespmem:s23], [sflag:$0x5], $0x7D0, $0x38;
	[tilespmem:$0x17700] =	vst v63  }
0xae: {  	s15 =	sadd.s32 s3, s2;
	s16 =	simm.s32 $0x128E0  }
0xaf: {  	[hbm4b:s15+s8] =	stream.linear.scatter [tilespmem:s16], [sflag:$0x5], $0x7D0, $0x38;
	[tilespmem:$0x17700] =	vst v63  }
0xb0: {  	s17 =	sadd.s32 s4, s2;
	s23 =	simm.s32 $0x130B0  }
0xb1: {  	[hbm4b:s17+s8] =	stream.linear.scatter [tilespmem:s23], [sflag:$0x5], $0x7D0, $0x38;
	[tilespmem:$0x17700] =	vst v63  }
0xb2: {  	s5 =	sadd.s32 s6, s2;
	s15 =	simm.s32 $0x13880  }
0xb3: {  	[hbm4b:s5+s8] =	stream.linear.scatter [tilespmem:s15], [sflag:$0x5], $0x7D0, $0x38;
	[tilespmem:$0x17700] =	vst v63  }
0xb4: {  	s16 =	sadd.s32 s7, s2;
	s17 =	simm.s32 $0x14050  }
0xb5: {  	[hbm4b:s16+s8] =	stream.linear.scatter [tilespmem:s17], [sflag:$0x5], $0x7D0, $0x38;
	[tilespmem:$0x17700] =	vst v63  }
0xb6: {  	_ =	swait.ge [sflag:s14], $0x3E80  }
0xb7: {  	[sflag:s14] =	ssyncset.done $0x0  }
0xb8: {  	[sflag:s14] =	ssyncadd.s32 $0xFFFFC180  }
0xb9: {  	_ =	swait.ge [sflag:s14], $0x3E80  }
0xba: {  	[sflag:s14] =	ssyncset.done $0x0  }
0xbb: {  	s1 =	simm.s32 @!p0 $0x3;
	[sflag:s14] =	ssyncadd.s32 $0xFFFFC180  }
0xbc: {  	_ =	swait.ge @!p0 [sflag:s1], $0x7D0  }
0xbd: {  	[sflag:s1] =	ssyncset.done @!p0 $0x0  }
0xbe: {  	[sflag:s1] =	ssyncadd.s32 @!p0 $0xFFFFF830  }
0xbf: {  	_ =	swait.ge @!p0 [sflag:s1], $0x7D0  }
0xc0: {  	s2 =	simm.s32 @!p0 $0x0;
	[sflag:s1] =	ssyncset.done @!p0 $0x0  }
0xc1: {  	s5 =	simm.s32 @!p0 $0x1F40;
	[sflag:s1] =	ssyncadd.s32 @!p0 $0xFFFFF830;
	s1 =	simm.s32 @!p0 $0x7D0  }
0xc2: {  	[tilespmem:s5], [sflag:$0x1] =	stream.indirect.gather @!p0 [hbm4b:s11+s1], $0x8, s2, s1, $0xb8;
	[tilespmem:$0x17700] =	vst v63  }
0xc3: {  	s5 =	simm.s32 @!p0 $0x5DC0  }
0xc4: {  	[tilespmem:s5], [sflag:$0x1] =	stream.indirect.gather @!p0 [hbm4b:s12+s1], $0x8, s1, s1, $0xb8;
	[tilespmem:$0x17700] =	vst v63  }
0xc5: {  	s1 =	sadd.s32 @!p0 s0, s19  }
0xc6: {  	s1 =	sshrl.u32 @!p0 s1, $0x3  }
0xc7: {  	s5 =	simm.s32 @!p0 $0xFA0;
	s1 =	sadd.s32 @!p0 s10, s1  }
0xc8: {  	[tilespmem:s5], [sflag:$0x4] =	stream.linear.gather @!p0 [hbm4b:s1+s2], $0x7D0, $0x38;
	[tilespmem:$0x17700] =	vst v63  }
0xc9: {  	s1 =	sadd.s32 @!p0 $0x61A80, s1;
	s5 =	simm.s32 @!p0 $0x1770  }
0xca: {  	[tilespmem:s5], [sflag:$0x4] =	stream.linear.gather @!p0 [hbm4b:s1+s2], $0x7D0, $0x38;
	[tilespmem:$0x17700] =	vst v63  }
0xcb: {  	p0 =	por p0, !p1  }
0xcc: {  	_ =	swait.ge @p0 [sflag:s24], $0x7D0  }
0xcd: {  	[sflag:s24] =	ssyncset.done @p0 $0x0  }
0xce: {  	[sflag:s24] =	ssyncadd.s32 @p0 $0xFFFFF830  }
0xcf: {  	_ =	swait.ge @p0 [sflag:s24], $0x7D0  }
0xd0: {  	[sflag:s24] =	ssyncset.done @p0 $0x0  }
0xd1: {  	[sflag:s24] =	ssyncadd.s32 @p0 $0xFFFFF830  }
0xd2: {  	_ =	swait.ge @p0 [sflag:s24], $0x7D0  }
0xd3: {  	[sflag:s24] =	ssyncset.done @p0 $0x0  }
0xd4: {  	[sflag:s24] =	ssyncadd.s32 @p0 $0xFFFFF830  }
0xd5: {  	_ =	swait.ge @p0 [sflag:s24], $0x7D0  }
0xd6: {  	s23 =	simm.s32 $0x0;
	[sflag:s24] =	ssyncset.done @p0 $0x0  }
0xd7: {  	v1 =	vmov s23;
	[sflag:s24] =	ssyncadd.s32 @p0 $0xFFFFF830  }
0xd8: {  	v1 =	vshll.u32 v1, $0x3;
	_ =	swait.ge @p0 [sflag:s24], $0x7D0  }
0xd9: {  	v1 =	vor.u32 v0, v1;
	[sflag:s24] =	ssyncset.done @p0 $0x0  }
0xda: {  	[sflag:s24] =	ssyncadd.s32 @p0 $0xFFFFF830  }
0xdb: {  	_ =	swait.ge @p0 [sflag:s24], $0x7D0  }
0xdc: {  	[sflag:s24] =	ssyncset.done @p0 $0x0  }
0xdd: {  	[sflag:s24] =	ssyncadd.s32 @p0 $0xFFFFF830  }
0xde: {  	v2 =	vld.idx.msk [tilespmem:v1+s30+$0x0], $0xffff  }
0xdf: {  	v3 =	vor.u32 $0x1, v1;
	_ =	sdelay $0x2  }
0xe0: {  	s2 =	simm.s32 $0x14820  }
0xe1: {  	[tilespmem:s2+$0x0] =	vst v2  }
0xe2: {  	v2 =	vld.idx.msk [tilespmem:v3+s30+$0x0], $0xffff  }
0xe3: {  	v62 =	vor.u32 $0x2, v1;
	_ =	sdelay $0x2  }
0xe4: {  	s5 =	simm.s32 $0x14FF0  }
0xe5: {  	[tilespmem:s5+$0x0] =	vst v2  }
0xe6: {  	v2 =	vld.idx.msk [tilespmem:v62+s30+$0x0], $0xffff;
	_ =	sdelay $0x3  }
0xe7: {  	s15 =	simm.s32 $0x157C0  }
0xe8: {  	[tilespmem:s15+$0x0] =	vst v2  }
0xe9: {  	v1 =	vld.idx.msk [tilespmem:v1+s31+$0x0], $0xffff;
	_ =	sdelay $0x3  }
0xea: {  	s16 =	simm.s32 $0x15F90  }
0xeb: {  	[tilespmem:s16+$0x0] =	vst v1  }
0xec: {  	v1 =	vld.idx.msk [tilespmem:v3+s31+$0x0], $0xffff;
	_ =	sdelay $0x3  }
0xed: {  	s23 =	simm.s32 $0x10;
	s17 =	simm.s32 $0x16760  }
0xee: {  	[tilespmem:s17+$0x0] =	vst v1;
	v1 =	vmov s23  }
0xef: {  	v2 =	vld.idx.msk [tilespmem:v62+s31+$0x0], $0xffff;
	v1 =	vshll.u32 v1, $0x3  }
0xf0: {  	v1 =	vor.u32 v0, v1;
	_ =	sdelay $0x2  }
0xf1: {  	s5 =	simm.s32 $0x16F30  }
0xf2: {  	[tilespmem:s5+$0x0] =	vst v2  }
0xf3: {  	v2 =	vld.idx.msk [tilespmem:v1+s30+$0x0], $0xffff  }
0xf4: {  	v3 =	vor.u32 $0x1, v1;
	_ =	sdelay $0x2  }
0xf5: {  	s15 =	simm.s32 $0x14830  }
0xf6: {  	[tilespmem:s15+$0x0] =	vst v2  }
0xf7: {  	v2 =	vld.idx.msk [tilespmem:v3+s30+$0x0], $0xffff  }
0xf8: {  	v63 =	vor.u32 $0x2, v1;
	_ =	sdelay $0x2  }
0xf9: {  	s16 =	simm.s32 $0x15000  }
0xfa: {  	[tilespmem:s16+$0x0] =	vst v2  }
0xfb: {  	v2 =	vld.idx.msk [tilespmem:v63+s30+$0x0], $0xffff;
	_ =	sdelay $0x3  }
0xfc: {  	s17 =	simm.s32 $0x157D0  }
0xfd: {  	[tilespmem:s17+$0x0] =	vst v2  }
0xfe: {  	v1 =	vld.idx.msk [tilespmem:v1+s31+$0x0], $0xffff;
	_ =	sdelay $0x3  }
0xff: {  	s23 =	simm.s32 $0x15FA0  }
0x100: {  	[tilespmem:s23+$0x0] =	vst v1  }
0x101: {  	v1 =	vld.idx.msk [tilespmem:v3+s31+$0x0], $0xffff;
	_ =	sdelay $0x3  }
0x102: {  	s1 =	simm.s32 $0x16770  }
0x103: {  	s2 =	simm.s32 $0x20;
	[tilespmem:s1+$0x0] =	vst v1  }
0x104: {  	v2 =	vmov s2;
	s2 =	simm.s32 $0x30;
	v1 =	vld.idx.msk [tilespmem:v63+s31+$0x0], $0xffff  }
.LBB2_8:
0x105: {  	p0 =	sne.s32 s2, $0x7C0;
	v2 =	vshll.u32 v2, $0x3  }
0x106: {  	v2 =	vor.u32 v0, v2;
	_ =	sdelay $0x2  }
0x107: {  	s5 =	sadd.s32 $0x10, s5  }
0x108: {  	[tilespmem:s5+$0x0] =	vst v1  }
0x109: {  	v1 =	vld.idx.msk [tilespmem:v2+s30+$0x0], $0xffff;
	_ =	sdelay $0x1  }
0x10a: {  	v3 =	vor.u32 $0x1, v2;
	_ =	sdelay $0x2  }
0x10b: {  	s15 =	sadd.s32 $0x10, s15  }
0x10c: {  	[tilespmem:s15+$0x0] =	vst v1  }
0x10d: {  	v1 =	vld.idx.msk [tilespmem:v3+s30+$0x0], $0xffff;
	_ =	sdelay $0x1  }
0x10e: {  	v4 =	vor.u32 $0x2, v2;
	_ =	sdelay $0x2  }
0x10f: {  	s16 =	sadd.s32 $0x10, s16  }
0x110: {  	[tilespmem:s16+$0x0] =	vst v1  }
0x111: {  	v1 =	vld.idx.msk [tilespmem:v4+s30+$0x0], $0xffff;
	_ =	sdelay $0x4  }
0x112: {  	s17 =	sadd.s32 $0x10, s17  }
0x113: {  	[tilespmem:s17+$0x0] =	vst v1  }
0x114: {  	v1 =	vld.idx.msk [tilespmem:v2+s31+$0x0], $0xffff;
	_ =	sdelay $0x4  }
0x115: {  	s23 =	sadd.s32 $0x10, s23  }
0x116: {  	[tilespmem:s23+$0x0] =	vst v1  }
0x117: {  	v1 =	vld.idx.msk [tilespmem:v3+s31+$0x0], $0xffff;
	_ =	sdelay $0x2  }
.Ltmp3:
0x118: {  	(pc) =	sbr.rel @p0 .LBB2_8-.Ltmp3, $4  }
0x119: {  	_ = 	snop  }
0x11a: {  	s1 =	sadd.s32 $0x10, s1  }
0x11b: {  	[tilespmem:s1+$0x0] =	vst v1  }
0x11c: {  	v2 =	vmov s2;
	s2 =	sadd.s32 $0x10, s2;
	v1 =	vld.idx.msk [tilespmem:v4+s31+$0x0], $0xffff  }
0x11d: {  	v2 =	vshll.u32 v2, $0x3  }
0x11e: {  	v2 =	vor.u32 v0, v2;
	_ =	sdelay $0x2  }
0x11f: {  	s2 =	sadd.s32 $0x10, s5  }
0x120: {  	[tilespmem:s2+$0x0] =	vst v1  }
0x121: {  	v1 =	vld.idx.msk [tilespmem:v2+s30+$0x0], $0xffff  }
0x122: {  	v3 =	vor.u32 $0x1, v2;
	_ =	sdelay $0x2  }
0x123: {  	s15 =	sadd.s32 $0x10, s15  }
0x124: {  	[tilespmem:s15+$0x0] =	vst v1  }
0x125: {  	v1 =	vld.idx.msk [tilespmem:v3+s30+$0x0], $0xffff  }
0x126: {  	v4 =	vor.u32 $0x2, v2;
	_ =	sdelay $0x2  }
0x127: {  	s15 =	sadd.s32 $0x10, s16  }
0x128: {  	[tilespmem:s15+$0x0] =	vst v1  }
0x129: {  	v1 =	vld.idx.msk [tilespmem:v4+s30+$0x0], $0xffff;
	_ =	sdelay $0x3  }
0x12a: {  	s16 =	sadd.s32 $0x10, s17  }
0x12b: {  	[tilespmem:s16+$0x0] =	vst v1  }
0x12c: {  	v1 =	vld.idx.msk [tilespmem:v2+s31+$0x0], $0xffff;
	_ =	sdelay $0x3  }
0x12d: {  	s17 =	sadd.s32 $0x10, s23  }
0x12e: {  	[tilespmem:s17+$0x0] =	vst v1  }
0x12f: {  	v1 =	vld.idx.msk [tilespmem:v3+s31+$0x0], $0xffff;
	_ =	sdelay $0x3  }
0x130: {  	s1 =	sadd.s32 $0x10, s1  }
0x131: {  	[tilespmem:s1+$0x0] =	vst v1  }
0x132: {  	v1 =	vld.idx.msk [tilespmem:v4+s31+$0x0], $0xffff;
	_ =	sdelay $0x2  }
0x133: {  	s0 =	sadd.s32 s0, s13  }
0x134: {  	s0 =	sshrl.u32 s0, $0x3;
	s23 =	sadd.s32 $0x10, s2;
	s2 =	rddreg [dreg:$0x1]  }
0x135: {  	s5 =	simm.s32 $0x14820;
	s15 =	rddreg [dreg:$0x2];
	s1 =	sadd.s32 s2, s0;
	[tilespmem:s23+$0x0] =	vst v1  }
0x136: {  	[hbm4b:s1+s8] =	stream.linear.scatter [tilespmem:s5], [sflag:$0x6], $0x7D0, $0x38;
	[tilespmem:$0x17700] =	vst v63  }
0x137: {  	s16 =	simm.s32 $0x14FF0;
	s1 =	sadd.s32 s15, s0  }
0x138: {  	[hbm4b:s1+s8] =	stream.linear.scatter [tilespmem:s16], [sflag:$0x6], $0x7D0, $0x38;
	[tilespmem:$0x17700] =	vst v63  }
0x139: {  	s22 =	sadd.s32 $0x1, s22;
	s17 =	sadd.s32 s3, s0;
	s23 =	simm.s32 $0x157C0  }
0x13a: {  	[hbm4b:s17+s8] =	stream.linear.scatter [tilespmem:s23], [sflag:$0x6], $0x7D0, $0x38;
	[tilespmem:$0x17700] =	vst v63  }
0x13b: {  	p0 =	sne.s32 s22, $0x19;
	s5 =	sadd.s32 s4, s0;
	s15 =	simm.s32 $0x15F90  }
0x13c: {  	[hbm4b:s5+s8] =	stream.linear.scatter [tilespmem:s15], [sflag:$0x6], $0x7D0, $0x38;
	[tilespmem:$0x17700] =	vst v63  }
.Ltmp4:
0x13d: {  	_ = 	snop;
	(pc) =	sbr.rel @p0 .LBB2_2-.Ltmp4, $4  }
0x13e: {  	s16 =	sadd.s32 s6, s0;
	s17 =	simm.s32 $0x16760  }
0x13f: {  	[hbm4b:s16+s8] =	stream.linear.scatter [tilespmem:s17], [sflag:$0x6], $0x7D0, $0x38;
	[tilespmem:$0x17700] =	vst v63  }
0x140: {  	s0 =	sadd.s32 s7, s0;
	s23 =	simm.s32 $0x16F30  }
0x141: {  	[hbm4b:s0+s8] =	stream.linear.scatter [tilespmem:s23], [sflag:$0x6], $0x7D0, $0x38;
	[tilespmem:$0x17700] =	vst v63  }
0x142: {  	_ =	swait.ge [sflag:s20], $0x7D0  }
0x143: {  	[sflag:s20] =	ssyncset.done $0x0  }
0x144: {  	[sflag:s20] =	ssyncadd.s32 $0xFFFFF830  }
0x145: {  	_ =	swait.ge [sflag:s20], $0x7D0  }
0x146: {  	[sflag:s20] =	ssyncset.done $0x0  }
0x147: {  	[sflag:s20] =	ssyncadd.s32 $0xFFFFF830  }
0x148: {  	_ =	swait.ge [sflag:s20], $0x7D0  }
0x149: {  	[sflag:s20] =	ssyncset.done $0x0  }
0x14a: {  	[sflag:s20] =	ssyncadd.s32 $0xFFFFF830  }
0x14b: {  	_ =	swait.ge [sflag:s20], $0x7D0  }
0x14c: {  	[sflag:s20] =	ssyncset.done $0x0  }
0x14d: {  	[sflag:s20] =	ssyncadd.s32 $0xFFFFF830  }
0x14e: {  	_ =	swait.ge [sflag:s20], $0x7D0  }
0x14f: {  	[sflag:s20] =	ssyncset.done $0x0  }
0x150: {  	[sflag:s20] =	ssyncadd.s32 $0xFFFFF830  }
0x151: {  	_ =	swait.ge [sflag:s20], $0x7D0  }
0x152: {  	[sflag:s20] =	ssyncset.done $0x0  }
0x153: {  	[sflag:s20] =	ssyncadd.s32 $0xFFFFF830  }
0x154: {  	_ =	swait.ge [sflag:s24], $0x7D0  }
0x155: {  	[sflag:s24] =	ssyncset.done $0x0  }
0x156: {  	[sflag:s24] =	ssyncadd.s32 $0xFFFFF830  }
0x157: {  	_ =	swait.ge [sflag:s24], $0x7D0  }
0x158: {  	[sflag:s24] =	ssyncset.done $0x0  }
0x159: {  	[sflag:s24] =	ssyncadd.s32 $0xFFFFF830  }
0x15a: {  	_ =	swait.ge [sflag:s24], $0x7D0  }
0x15b: {  	[sflag:s24] =	ssyncset.done $0x0  }
0x15c: {  	[sflag:s24] =	ssyncadd.s32 $0xFFFFF830  }
0x15d: {  	_ =	swait.ge [sflag:s24], $0x7D0  }
0x15e: {  	[sflag:s24] =	ssyncset.done $0x0  }
0x15f: {  	[sflag:s24] =	ssyncadd.s32 $0xFFFFF830  }
0x160: {  	_ =	swait.ge [sflag:s24], $0x7D0  }
0x161: {  	[sflag:s24] =	ssyncset.done $0x0  }
0x162: {  	[sflag:s24] =	ssyncadd.s32 $0xFFFFF830  }
0x163: {  	_ =	swait.ge [sflag:s24], $0x7D0  }
0x164: {  	s1 =	rddreg [dreg:$0xd]  }
0x165: {  	s0 =	rddreg [dreg:$0xc];
	s1 =	sadd.s32 $0x1, s1  }
0x166: {  	p0 =	sne.s32 s1, s0  }
.Ltmp5:
0x167: {  	_ = 	snop;
	(pc) =	sbr.rel @p0 .LBB2_1-.Ltmp5, $3  }
0x168: {  	_ =	sdelay $0x1  }
0x169: {  	[sflag:s24] =	ssyncset.done $0x0  }
0x16a: {  	[sflag:s24] =	ssyncadd.s32 $0xFFFFF830  }
0x16b: {  	_ =	sfence.sel $0x180000  }
0x16c: {  	[bflag:$0x0] =	sbarrier.arrive $0xFFFF  }
0x16d: {  	_ =	strace $0x9000004A  }
0x16e: {  	s0 =	stileid.u32;
	[bflag:$0x2] =	sbarrier.arrive $0xFFFF  }
0x16f: {  	p0 =	sne.s32 s0, $0x0;
	s0 =	rddreg [dreg:$0x7]  }
0x170: {  	s0 =	sadd.s32 @!p0 $0x100000, s0  }
0x171: {  	[sflag:s0] =	ssyncadd.tile.s32 @!p0 $0x1;
	_ =	shalt  }
.Lfunc_end2:
_tile_overlayer_lowered:
.L_overlay_start_2:
0x172: {  	(tag) =	ssettag $0x2  }
0x173: {  	s0 =	rddreg [dreg:$0x0];
	s2 =	stileid.u32  }
0x174: {  	s1 =	rddreg [dreg:$0x1];
	p0 =	sne.s32 s2, $0x0  }
0x175: {  	s3 =	rddreg [dreg:$0x2];
	[bflag:$0x3] =	sbarrier.arrive $0xFFFF;
	s2 =	simm.s32 @!p0 $0x1C07  }
0x176: {  	[timem:s3], [sflag:s2] =	dma.local @!p0 [hbm:s0], s1  }
0x177: {  	s0 =	simm.s32 @!p0 $0x7  }
0x178: {  	_ =	swait.ge @!p0 [sflag:s0], s1  }
0x179: {  	s1 =	ssub.s32 @!p0 $0x0, s1;
	[sflag:s0] =	ssyncset.done @!p0 $0x0  }
0x17a: {  	[sflag:s0] =	ssyncadd.s32 @!p0 s1  }
0x17b: {  	[bflag:$0x3] =	sbarrier.arrive $0xFFFF  }
0x17c: {  	_ =	shalt  }

</sc_bundles>
